<compile_context>
chip_gen: v7x
topology: tpu7x:2x2x1
jax: 0.10.2.dev20260603
libtpu: 0.0.44.dev20260713+nightly
codegen_flags: <defaults>
</compile_context>

<pallas_src>
import functools

import jax
import jax.numpy as jnp
from jax import lax
from jax.experimental import pallas as pl
from jax.experimental.pallas import tpu as pltpu
from jax.experimental.pallas import tpu_sc as plsc

K = 20
_PAD_BATCH = 0x3FFFFFFF
_I32_MAX = 2**31 - 1
_HI = lax.Precision.HIGHEST


def _dot(a, b):
    return jnp.dot(a, b, preferred_element_type=jnp.float32)


def _ln(h, g, b):
    mu = jnp.mean(h, axis=-1, keepdims=True)
    var = jnp.mean((h - mu) ** 2, axis=-1, keepdims=True)
    return (h - mu) / jnp.sqrt(var + 1e-5) * g + b


def _prep_body(x_ref, w1_ref, b1_ref, a_ref, v_ref, *, C):
    xb = x_ref[...]
    w1 = w1_ref[...]
    wb = w1[C:, :]
    wa = w1[:C, :] - wb
    a_ref[...] = _dot(xb, wa) + b1_ref[...]
    v_ref[...] = _dot(xb, wb)


def _prep(xp, W1, b1row):
    NP, C = xp.shape
    COUT = W1.shape[1]
    PB = 1024
    return pl.pallas_call(
        functools.partial(_prep_body, C=C),
        grid=(NP // PB,),
        in_specs=[
            pl.BlockSpec((PB, C), lambda i: (i, 0)),
            pl.BlockSpec((2 * C, COUT), lambda i: (0, 0)),
            pl.BlockSpec((1, COUT), lambda i: (0, 0)),
        ],
        out_specs=[
            pl.BlockSpec((PB, COUT), lambda i: (i, 0)),
            pl.BlockSpec((PB, COUT), lambda i: (i, 0)),
        ],
        out_shape=[
            jax.ShapeDtypeStruct((NP, COUT), jnp.float32),
            jax.ShapeDtypeStruct((NP, COUT), jnp.float32),
        ],
    )(xp, W1, b1row)


def _knn_body(xi_ref, xt_ref, brow_ref, blan_ref, ov_ref, idx_ref,
              *, RB, CB, NCB, K2, NP):
    i = pl.program_id(0)
    xi = xi_ref[...]
    sqi = jnp.sum(xi * xi, axis=1, keepdims=True)
    bi = brow_ref[...]
    inf = jnp.float32(jnp.inf)
    big = jnp.float32(3e9)
    d0 = jnp.full((RB, K2), inf, jnp.float32)
    i0 = jnp.full((RB, K2), big, jnp.float32)

    def col_body(j, carry):
        def merge(c):
            dtop, itop = c
            start = pl.multiple_of(j * CB, CB)
            xjt = xt_ref[:, pl.ds(start, CB)]
            sqj = jnp.sum(xjt * xjt, axis=0, keepdims=True)
            mm = jnp.dot(xi, xjt, preferred_element_type=jnp.float32)
            d2 = (sqi + sqj) - 2.0 * mm
            bj = blan_ref[:, pl.ds(start, CB)]
            dm = jnp.where(bi == bj, d2, inf)
            ci = (jnp.float32(j * CB)
                  + lax.broadcasted_iota(jnp.int32, (RB, CB), 1
                                         ).astype(jnp.float32))
            dall_full = jnp.concatenate([dtop, dm], axis=1)
            iall_full = jnp.concatenate([itop, ci], axis=1)
            SUB = 32
            cd, cix = [], []
            for c in range(RB // SUB):
                dall = dall_full[c * SUB:(c + 1) * SUB]
                iall = iall_full[c * SUB:(c + 1) * SUB]
                nd, ni = [], []
                m = jnp.full((SUB, 1), -jnp.inf, jnp.float32)
                for _ in range(K):
                    dx = jnp.where(dall > m, dall, inf)
                    m = jnp.min(dx, axis=1, keepdims=True)
                    isel = jnp.min(jnp.where(dx == m, iall, big), axis=1,
                                   keepdims=True)
                    nd.append(m)
                    ni.append(isel)
                nd.append(jnp.full((SUB, K2 - K), inf, jnp.float32))
                ni.append(jnp.full((SUB, K2 - K), big, jnp.float32))
                cd.append(jnp.concatenate(nd, axis=1))
                cix.append(jnp.concatenate(ni, axis=1))
            return (jnp.concatenate(cd, axis=0), jnp.concatenate(cix, axis=0))

        return lax.cond(ov_ref[i, j] > 0, merge, lambda c: c, carry)

    dtop, itop = lax.fori_loop(0, NCB, col_body, (d0, i0))
    idx_ref[...] = jnp.clip(
        jnp.minimum(itop[:, :K], jnp.float32(NP)).astype(jnp.int32), 0, NP - 1)


def _knn(xp, xpt, bcol, brow, ov, RB, CB):
    NP, C = xp.shape
    NRB, NCB = NP // RB, NP // CB
    return pl.pallas_call(
        functools.partial(_knn_body, RB=RB, CB=CB, NCB=NCB, K2=128, NP=NP),
        grid=(NRB,),
        in_specs=[
            pl.BlockSpec((RB, C), lambda i: (i, 0)),
            pl.BlockSpec((C, NP), lambda i: (0, 0)),
            pl.BlockSpec((RB, 1), lambda i: (i, 0)),
            pl.BlockSpec((1, NP), lambda i: (0, 0)),
            pl.BlockSpec(memory_space=pltpu.SMEM),
        ],
        out_specs=pl.BlockSpec((RB, K), lambda i: (i, 0)),
        out_shape=jax.ShapeDtypeStruct((NP, K), jnp.int32),
    )(xp, xpt, bcol, brow, ov)


def _sc_gather(idx_flat, vp):
    E = idx_flat.shape[0]
    COUT = vp.shape[1]
    info = plsc.get_sparse_core_info()
    NC, NS = info.num_cores, info.num_subcores
    NW = NC * NS
    CH = 128
    assert E % (NW * CH) == 0
    per_w = E // NW
    n_ch = per_w // CH
    mesh = plsc.VectorSubcoreMesh(core_axis_name="c", subcore_axis_name="s")

    assert n_ch % 2 == 0

    @functools.partial(
        pl.kernel,
        mesh=mesh,
        out_type=jax.ShapeDtypeStruct((E, COUT), jnp.float32),
        scratch_types=[
            pltpu.VMEM((CH,), jnp.int32),
            pltpu.VMEM((CH,), jnp.int32),
            pltpu.VMEM((CH, COUT), jnp.float32),
            pltpu.VMEM((CH, COUT), jnp.float32),
            pltpu.SemaphoreType.DMA,
            pltpu.SemaphoreType.DMA,
        ],
    )
    def gk(idx_hbm, vp_hbm, out_hbm, idx_a, idx_b, rows_a, rows_b,
           sem_a, sem_b):
        wid = lax.axis_index("s") * NC + lax.axis_index("c")
        base = wid * per_w

        def body(p, carry):
            off0 = pl.multiple_of(base + (2 * p) * CH, CH)
            off1 = pl.multiple_of(base + (2 * p) * CH + CH, CH)
            pltpu.sync_copy(idx_hbm.at[pl.ds(off0, CH)], idx_a)
            cp0 = pltpu.async_copy(vp_hbm.at[idx_a], rows_a, sem_a)
            pltpu.sync_copy(idx_hbm.at[pl.ds(off1, CH)], idx_b)
            cp1 = pltpu.async_copy(vp_hbm.at[idx_b], rows_b, sem_b)
            cp0.wait()
            pltpu.sync_copy(rows_a, out_hbm.at[pl.ds(off0, CH)])
            cp1.wait()
            pltpu.sync_copy(rows_b, out_hbm.at[pl.ds(off1, CH)])
            return carry

        lax.fori_loop(0, n_ch // 2, body, 0)

    return gk(idx_flat, vp)


def _mlp_body(a_ref, vgt_ref, x_ref, w2_ref, b2_ref, g1_ref, be1_ref,
              g2_ref, be2_ref, o_ref):
    a = a_ref[...]
    w2 = w2_ref[...]
    g1 = g1_ref[...]
    be1 = be1_ref[...]
    b2 = b2_ref[...]
    g2 = g2_ref[...]
    be2 = be2_ref[...]
    RB, COUT = a.shape
    h = vgt_ref[...].reshape(K * RB, COUT) + jnp.tile(a, (K, 1))
    h = jnp.maximum(_ln(h, g1, be1), 0.0)
    h2 = _dot(h, w2) + b2
    h2 = jnp.maximum(_ln(h2, g2, be2), 0.0)
    acc = jnp.max(h2.reshape(K, RB, COUT), axis=0)
    o_ref[...] = acc + x_ref[...]


def _mlp(a, vgt, xp, W2, b2r, g1r, be1r, g2r, be2r):
    NP, COUT = a.shape
    RB = 128
    vec = pl.BlockSpec((1, COUT), lambda i: (0, 0))
    return pl.pallas_call(
        _mlp_body,
        grid=(NP // RB,),
        in_specs=[
            pl.BlockSpec((RB, COUT), lambda i: (i, 0)),
            pl.BlockSpec((K, RB, COUT), lambda i: (0, i, 0)),
            pl.BlockSpec((RB, COUT), lambda i: (i, 0)),
            pl.BlockSpec((COUT, COUT), lambda i: (0, 0)),
            vec, vec, vec, vec, vec,
        ],
        out_specs=pl.BlockSpec((RB, COUT), lambda i: (i, 0)),
        out_shape=jax.ShapeDtypeStruct((NP, COUT), jnp.float32),
    )(a, vgt, xp, W2, b2r, g1r, be1r, g2r, be2r)


def kernel(x, batch, W1, b1, g1, be1, W2, b2, g2, be2):
    N, C = x.shape
    COUT = W2.shape[0]
    NP = -(-N // 1024) * 1024
    xp = jnp.pad(x, ((0, NP - N), (0, 0)))
    bp = jnp.pad(batch, (0, NP - N), constant_values=_PAD_BATCH)
    xpt = xp.T

    a, v = _prep(xp, W1, b1.reshape(1, COUT))

    RB, CB = 128, 512
    NRB, NCB = NP // RB, NP // CB
    br = bp.reshape(NRB, RB)
    bc = bp.reshape(NCB, CB)
    ov = ((br.min(axis=1)[:, None] <= bc.max(axis=1)[None, :])
          & (bc.min(axis=1)[None, :] <= br.max(axis=1)[:, None])
          ).astype(jnp.int32)
    idx = _knn(xp, xpt, bp.reshape(NP, 1), bp.reshape(1, NP), ov, RB, CB)

    idx_flat = idx.T.reshape(-1)
    vg = _sc_gather(idx_flat, v)
    vgt = vg.reshape(K, NP, COUT)

    out = _mlp(a, vgt, xp, W2, b2.reshape(1, COUT), g1.reshape(1, COUT),
               be1.reshape(1, COUT), g2.reshape(1, COUT), be2.reshape(1, COUT))
    return out[:N]

# --- scband reference (transcript-rebuilt; emitter-appended) ---
"""Pipeline reference for scband-edge-conv-block-25340307046480 (READ-ONLY COPY).

The authoritative reference and input builder live on the scoring server;
editing this copy changes nothing except your own understanding.
"""

import jax, jax.numpy as jnp
import numpy as np

N, C, COUT, K, B = 10000, 256, 256, 20, 4

def _ln(h, g, b):
    mu = jnp.mean(h, axis=-1, keepdims=True)
    var = jnp.mean((h - mu) ** 2, axis=-1, keepdims=True)
    return (h - mu) / jnp.sqrt(var + 1e-5) * g + b

def setup_inputs(seed: int = 0) -> dict:
    key = jax.random.key(seed)
    ks = jax.random.split(key, 4)
    x = jax.random.normal(ks[0], (N, C), dtype=jnp.float32)
    batch = jnp.sort(jax.random.randint(ks[1], (N,), 0, B, dtype=jnp.int32))
    W1 = jax.random.normal(ks[2], (2 * C, COUT), dtype=jnp.float32) * (1.0 / np.sqrt(2 * C))
    b1 = jnp.zeros((COUT,), dtype=jnp.float32)
    g1 = jnp.ones((COUT,), dtype=jnp.float32)
    be1 = jnp.zeros((COUT,), dtype=jnp.float32)
    W2 = jax.random.normal(ks[3], (COUT, COUT), dtype=jnp.float32) * (1.0 / np.sqrt(COUT))
    b2 = jnp.zeros((COUT,), dtype=jnp.float32)
    g2 = jnp.ones((COUT,), dtype=jnp.float32)
    be2 = jnp.zeros((COUT,), dtype=jnp.float32)
    return {"x": x, "batch": batch, "W1": W1, "b1": b1, "g1": g1, "be1": be1,
            "W2": W2, "b2": b2, "g2": g2, "be2": be2}

def reference(x, batch, W1, b1, g1, be1, W2, b2, g2, be2):
    # DynamicEdgeConv: knn graph in x-space (per batch element), knn includes self (dist 0).
    xs = jax.lax.stop_gradient(x)  # knn index selection is non-differentiable in PyG
    sq = jnp.sum(xs * xs, axis=1)
    d2 = sq[:, None] + sq[None, :] - 2.0 * (xs @ xs.T)
    d2 = jnp.where(batch[:, None] != batch[None, :], jnp.inf, d2)
    _, idx = jax.lax.top_k(-d2, K)  # [N, K] neighbor indices per target node
    xi = jnp.broadcast_to(x[:, None, :], (N, K, C))
    xj = x[idx]  # gather source-node features
    feat = jnp.concatenate([xi, xj - xi], axis=-1)  # [N, K, 2C]
    h = _ln(feat @ W1 + b1, g1, be1)
    h = jax.nn.relu(h)
    h = _ln(h @ W2 + b2, g2, be2)
    h = jax.nn.relu(h)
    agg = jnp.max(h, axis=1)  # aggr='max' over the K fixed-degree edges
    return agg + x  # residual is Identity since in_channels == out_channels

if __name__ == "__main__":
    import jax
    _d = setup_inputs()
    print(jax.jit(kernel)(*tuple(_d.values())))

</pallas_src>

<mosaic_0001>
#map = affine_map<(d0, d1) -> (0)>
#map1 = affine_map<(d0, d1) -> (0, 0)>
module attributes {stable_mosaic.version = 14 : i64} {
  func.func @gk(%arg0: i32, %arg1: i32, %arg2: memref<204800xi32, #tpu.memory_space<hbm>>, %arg3: memref<10240x256xf32, #tpu.memory_space<hbm>>, %arg4: memref<204800x256xf32, #tpu.memory_space<hbm>>, %arg5: memref<128xi32, #tpu.memory_space<vmem>>, %arg6: memref<128xi32, #tpu.memory_space<vmem>>, %arg7: memref<128x256xf32, #tpu.memory_space<vmem>>, %arg8: memref<128x256xf32, #tpu.memory_space<vmem>>, %arg9: memref<!tpu.dma_semaphore, #tpu.memory_space<semaphore_mem>>, %arg10: memref<!tpu.dma_semaphore, #tpu.memory_space<semaphore_mem>>) attributes {dimension_semantics = [#tpu.dimension_semantics<core_parallel>, #tpu.dimension_semantics<subcore_parallel>], iteration_bounds = array<i64: 2, 16>, scalar_prefetch = 0 : i64, scratch_operands = 6 : i64, tpu.core_type = #tpu.core_type<sc_vector_subcore>, window_params = [{transform_indices = #map}, {transform_indices = #map1}, {transform_indices = #map1}]} {
    %mul3A = arith.constant 2 : i32
    %mul3A_0 = arith.muli %arg1, %mul3A : i32
    %add3A = arith.addi %mul3A_0, %arg0 : i32
    %mul3A_1 = arith.constant 6400 : i32
    %mul3A_2 = arith.muli %add3A, %mul3A_1 : i32
    %scan3A = arith.constant 0 : i32
    %scan3A_3 = arith.constant 0 : i32
    %scan3A_4 = arith.constant 25 : i32
    %scan3A_5 = arith.addi %scan3A_3, %scan3A_4 : i32
    %scan3A_6 = arith.constant 1 : i32
    scf.for %scan3A_8 = %scan3A_3 to %scan3A_5 step %scan3A_6  : i32 {
      %mul3A_9 = arith.constant 2 : i32
      %mul3A_10 = arith.muli %mul3A_9, %scan3A_8 : i32
      %mul3A_11 = arith.constant 128 : i32
      %mul3A_12 = arith.muli %mul3A_10, %mul3A_11 : i32
      %add3A_13 = arith.addi %mul3A_2, %mul3A_12 : i32
      %multiple_of3A = tpu.assume_multiple %add3A_13, 128 : i32
      %mul3A_14 = arith.constant 2 : i32
      %mul3A_15 = arith.muli %mul3A_14, %scan3A_8 : i32
      %mul3A_16 = arith.constant 128 : i32
      %mul3A_17 = arith.muli %mul3A_15, %mul3A_16 : i32
      %add3A_18 = arith.addi %mul3A_2, %mul3A_17 : i32
      %add3A_19 = arith.constant 128 : i32
      %add3A_20 = arith.addi %add3A_18, %add3A_19 : i32
      %multiple_of3A_21 = tpu.assume_multiple %add3A_20, 128 : i32
      "tpu.region"() ({
        %run_scoped3A = tpu.sem_alloc : memref<!tpu.dma_semaphore, #tpu.memory_space<semaphore_mem>>
        %dma_start3A_32 = tpu.memref_slice %arg2[%multiple_of3A] : memref<204800xi32, #tpu.memory_space<hbm>> -> memref<128xi32, #tpu.memory_space<hbm>>
        %dma_start3A_33 = tpu.memref_slice %arg2[%multiple_of3A] : memref<204800xi32, #tpu.memory_space<hbm>> -> memref<128xi32, #tpu.memory_space<hbm>>
        tpu.enqueue_dma source(%dma_start3A_33 : memref<128xi32, #tpu.memory_space<hbm>>) target(%arg5 : memref<128xi32, #tpu.memory_space<vmem>>) target_semaphore(%run_scoped3A : memref<!tpu.dma_semaphore, #tpu.memory_space<semaphore_mem>>)
        %dma_wait3A_34 = tpu.memref_slice %arg2[%multiple_of3A] : memref<204800xi32, #tpu.memory_space<hbm>> -> memref<128xi32, #tpu.memory_space<hbm>>
        %dma_wait3A_35 = tpu.memref_slice %arg2[%multiple_of3A] : memref<204800xi32, #tpu.memory_space<hbm>> -> memref<128xi32, #tpu.memory_space<hbm>>
        tpu.wait_dma2 semaphore(%run_scoped3A : memref<!tpu.dma_semaphore, #tpu.memory_space<semaphore_mem>>) src(%dma_wait3A_35 : memref<128xi32, #tpu.memory_space<hbm>>) dst(%arg5 : memref<128xi32, #tpu.memory_space<vmem>>)
        tpu.yield
      }) : () -> ()
      %dma_start3A = arith.constant 0 : i32
      %dma_start3A_22 = arith.constant 0 : i32
      %dma_start3A_23 = tpu.memref_slice %arg3[%dma_start3A, %dma_start3A_22] : memref<10240x256xf32, #tpu.memory_space<hbm>> -> memref<10240x256xf32, #tpu.memory_space<hbm>>
      tpu.enqueue_indirect_dma source(%dma_start3A_23 : memref<10240x256xf32, #tpu.memory_space<hbm>>) target(%arg7 : memref<128x256xf32, #tpu.memory_space<vmem>>) offsets(%arg5 : memref<128xi32, #tpu.memory_space<vmem>>) semaphore(%arg9 : memref<!tpu.dma_semaphore, #tpu.memory_space<semaphore_mem>>)
      "tpu.region"() ({
        %run_scoped3A = tpu.sem_alloc : memref<!tpu.dma_semaphore, #tpu.memory_space<semaphore_mem>>
        %dma_start3A_32 = tpu.memref_slice %arg2[%multiple_of3A_21] : memref<204800xi32, #tpu.memory_space<hbm>> -> memref<128xi32, #tpu.memory_space<hbm>>
        %dma_start3A_33 = tpu.memref_slice %arg2[%multiple_of3A_21] : memref<204800xi32, #tpu.memory_space<hbm>> -> memref<128xi32, #tpu.memory_space<hbm>>
        tpu.enqueue_dma source(%dma_start3A_33 : memref<128xi32, #tpu.memory_space<hbm>>) target(%arg6 : memref<128xi32, #tpu.memory_space<vmem>>) target_semaphore(%run_scoped3A : memref<!tpu.dma_semaphore, #tpu.memory_space<semaphore_mem>>)
        %dma_wait3A_34 = tpu.memref_slice %arg2[%multiple_of3A_21] : memref<204800xi32, #tpu.memory_space<hbm>> -> memref<128xi32, #tpu.memory_space<hbm>>
        %dma_wait3A_35 = tpu.memref_slice %arg2[%multiple_of3A_21] : memref<204800xi32, #tpu.memory_space<hbm>> -> memref<128xi32, #tpu.memory_space<hbm>>
        tpu.wait_dma2 semaphore(%run_scoped3A : memref<!tpu.dma_semaphore, #tpu.memory_space<semaphore_mem>>) src(%dma_wait3A_35 : memref<128xi32, #tpu.memory_space<hbm>>) dst(%arg6 : memref<128xi32, #tpu.memory_space<vmem>>)
        tpu.yield
      }) : () -> ()
      %dma_start3A_24 = arith.constant 0 : i32
      %dma_start3A_25 = arith.constant 0 : i32
      %dma_start3A_26 = tpu.memref_slice %arg3[%dma_start3A_24, %dma_start3A_25] : memref<10240x256xf32, #tpu.memory_space<hbm>> -> memref<10240x256xf32, #tpu.memory_space<hbm>>
      tpu.enqueue_indirect_dma source(%dma_start3A_26 : memref<10240x256xf32, #tpu.memory_space<hbm>>) target(%arg8 : memref<128x256xf32, #tpu.memory_space<vmem>>) offsets(%arg6 : memref<128xi32, #tpu.memory_space<vmem>>) semaphore(%arg10 : memref<!tpu.dma_semaphore, #tpu.memory_space<semaphore_mem>>)
      %dma_wait3A = arith.constant 0 : i32
      %dma_wait3A_27 = arith.constant 0 : i32
      %dma_wait3A_28 = tpu.memref_slice %arg3[%dma_wait3A, %dma_wait3A_27] : memref<10240x256xf32, #tpu.memory_space<hbm>> -> memref<10240x256xf32, #tpu.memory_space<hbm>>
      tpu.wait_indirect_dma semaphore(%arg9 : memref<!tpu.dma_semaphore, #tpu.memory_space<semaphore_mem>>) src(%dma_wait3A_28 : memref<10240x256xf32, #tpu.memory_space<hbm>>) dst(%arg7 : memref<128x256xf32, #tpu.memory_space<vmem>>)
      "tpu.region"() ({
        %run_scoped3A = tpu.sem_alloc : memref<!tpu.dma_semaphore, #tpu.memory_space<semaphore_mem>>
        %dma_start3A_32 = arith.constant 0 : i32
        %dma_start3A_33 = tpu.memref_slice %arg4[%multiple_of3A, %dma_start3A_32] : memref<204800x256xf32, #tpu.memory_space<hbm>> -> memref<128x256xf32, #tpu.memory_space<hbm>>
        %dma_start3A_34 = arith.constant 0 : i32
        %dma_start3A_35 = tpu.memref_slice %arg4[%multiple_of3A, %dma_start3A_34] : memref<204800x256xf32, #tpu.memory_space<hbm>> -> memref<128x256xf32, #tpu.memory_space<hbm>>
        tpu.enqueue_dma source(%arg7 : memref<128x256xf32, #tpu.memory_space<vmem>>) target(%dma_start3A_35 : memref<128x256xf32, #tpu.memory_space<hbm>>) target_semaphore(%run_scoped3A : memref<!tpu.dma_semaphore, #tpu.memory_space<semaphore_mem>>)
        %dma_wait3A_36 = arith.constant 0 : i32
        %dma_wait3A_37 = tpu.memref_slice %arg4[%multiple_of3A, %dma_wait3A_36] : memref<204800x256xf32, #tpu.memory_space<hbm>> -> memref<128x256xf32, #tpu.memory_space<hbm>>
        %dma_wait3A_38 = arith.constant 0 : i32
        %dma_wait3A_39 = tpu.memref_slice %arg4[%multiple_of3A, %dma_wait3A_38] : memref<204800x256xf32, #tpu.memory_space<hbm>> -> memref<128x256xf32, #tpu.memory_space<hbm>>
        tpu.wait_dma2 semaphore(%run_scoped3A : memref<!tpu.dma_semaphore, #tpu.memory_space<semaphore_mem>>) src(%arg7 : memref<128x256xf32, #tpu.memory_space<vmem>>) dst(%dma_wait3A_39 : memref<128x256xf32, #tpu.memory_space<hbm>>)
        tpu.yield
      }) : () -> ()
      %dma_wait3A_29 = arith.constant 0 : i32
      %dma_wait3A_30 = arith.constant 0 : i32
      %dma_wait3A_31 = tpu.memref_slice %arg3[%dma_wait3A_29, %dma_wait3A_30] : memref<10240x256xf32, #tpu.memory_space<hbm>> -> memref<10240x256xf32, #tpu.memory_space<hbm>>
      tpu.wait_indirect_dma semaphore(%arg10 : memref<!tpu.dma_semaphore, #tpu.memory_space<semaphore_mem>>) src(%dma_wait3A_31 : memref<10240x256xf32, #tpu.memory_space<hbm>>) dst(%arg8 : memref<128x256xf32, #tpu.memory_space<vmem>>)
      "tpu.region"() ({
        %run_scoped3A = tpu.sem_alloc : memref<!tpu.dma_semaphore, #tpu.memory_space<semaphore_mem>>
        %dma_start3A_32 = arith.constant 0 : i32
        %dma_start3A_33 = tpu.memref_slice %arg4[%multiple_of3A_21, %dma_start3A_32] : memref<204800x256xf32, #tpu.memory_space<hbm>> -> memref<128x256xf32, #tpu.memory_space<hbm>>
        %dma_start3A_34 = arith.constant 0 : i32
        %dma_start3A_35 = tpu.memref_slice %arg4[%multiple_of3A_21, %dma_start3A_34] : memref<204800x256xf32, #tpu.memory_space<hbm>> -> memref<128x256xf32, #tpu.memory_space<hbm>>
        tpu.enqueue_dma source(%arg8 : memref<128x256xf32, #tpu.memory_space<vmem>>) target(%dma_start3A_35 : memref<128x256xf32, #tpu.memory_space<hbm>>) target_semaphore(%run_scoped3A : memref<!tpu.dma_semaphore, #tpu.memory_space<semaphore_mem>>)
        %dma_wait3A_36 = arith.constant 0 : i32
        %dma_wait3A_37 = tpu.memref_slice %arg4[%multiple_of3A_21, %dma_wait3A_36] : memref<204800x256xf32, #tpu.memory_space<hbm>> -> memref<128x256xf32, #tpu.memory_space<hbm>>
        %dma_wait3A_38 = arith.constant 0 : i32
        %dma_wait3A_39 = tpu.memref_slice %arg4[%multiple_of3A_21, %dma_wait3A_38] : memref<204800x256xf32, #tpu.memory_space<hbm>> -> memref<128x256xf32, #tpu.memory_space<hbm>>
        tpu.wait_dma2 semaphore(%run_scoped3A : memref<!tpu.dma_semaphore, #tpu.memory_space<semaphore_mem>>) src(%arg8 : memref<128x256xf32, #tpu.memory_space<vmem>>) dst(%dma_wait3A_39 : memref<128x256xf32, #tpu.memory_space<hbm>>)
        tpu.yield
      }) : () -> ()
    }
    %scan3A_7 = arith.constant 25 : i32
    return
  }
}

module attributes {stable_mosaic.version = 14 : i64} {
  func.func @_knn_body(%arg0: i32, %arg1: memref<128x256xf32, #tpu.memory_space<vmem>>, %arg2: memref<256x10240xf32, #tpu.memory_space<vmem>>, %arg3: memref<128x1xi32, #tpu.memory_space<vmem>>, %arg4: memref<1x10240xi32, #tpu.memory_space<vmem>>, %arg5: memref<80x20xi32, #tpu.memory_space<smem>>, %arg6: memref<128x20xi32, #tpu.memory_space<vmem>>) attributes {dimension_semantics = [#tpu.dimension_semantics<arbitrary>], iteration_bounds = array<i64: 80>, scalar_prefetch = 0 : i64, scratch_operands = 0 : i64, tpu.core_type = #tpu.core_type<tc>, window_params = [{transform_indices = @transform_0, window_bounds = array<i64: 128, 256>}, {pipeline_mode = #tpu.pipeline_mode<synchronous>, transform_indices = @transform_1, window_bounds = array<i64: 256, 10240>}, {transform_indices = @transform_2, window_bounds = array<i64: 128, 1>}, {pipeline_mode = #tpu.pipeline_mode<synchronous>, transform_indices = @transform_3, window_bounds = array<i64: 1, 10240>}, {transform_indices = @transform_4, window_bounds = array<i64: 80, 20>}, {transform_indices = @transform_5, window_bounds = array<i64: 128, 20>}]} {
    %get3A = arith.constant 0 : index
    %get3A_0 = arith.constant 0 : index
    %get3A_1 = vector.load %arg1[%get3A, %get3A_0] : memref<128x256xf32, #tpu.memory_space<vmem>>, vector<128x256xf32>
    %mul3A = arith.mulf %get3A_1, %get3A_1 : vector<128x256xf32>
    %reduce_sum3A = arith.constant dense<0.000000e+00> : vector<128xf32>
    %reduce_sum3A_2 = vector.multi_reduction <add>, %mul3A, %reduce_sum3A [1] : vector<128x256xf32> to vector<128xf32>
    %broadcast_in_dim3A = vector.shape_cast %reduce_sum3A_2 : vector<128xf32> to vector<128x1xf32>
    %get3A_3 = arith.constant 0 : index
    %get3A_4 = arith.constant 0 : index
    %get3A_5 = vector.load %arg3[%get3A_3, %get3A_4] : memref<128x1xi32, #tpu.memory_space<vmem>>, vector<128x1xi32>
    %broadcast_in_dim3A_6 = arith.constant 0x7F800000 : f32
    %broadcast_in_dim3A_7 = vector.broadcast %broadcast_in_dim3A_6 : f32 to vector<128x128xf32>
    %broadcast_in_dim3A_8 = arith.constant 3.000000e+09 : f32
    %broadcast_in_dim3A_9 = vector.broadcast %broadcast_in_dim3A_8 : f32 to vector<128x128xf32>
    %scan3A = arith.constant 0x7F800000 : f32
    %scan3A_10 = arith.constant 3.000000e+09 : f32
    %scan3A_11 = arith.constant 0 : i32
    %scan3A_12 = arith.constant 20 : i32
    %scan3A_13 = arith.addi %scan3A_11, %scan3A_12 : i32
    %scan3A_14 = arith.constant 1 : i32
    %scan3A_15:2 = scf.for %scan3A_25 = %scan3A_11 to %scan3A_13 step %scan3A_14 iter_args(%scan3A_26 = %broadcast_in_dim3A_7, %scan3A_27 = %broadcast_in_dim3A_9) -> (vector<128x128xf32>, vector<128x128xf32>)  : i32 {
      %get3A_28 = arith.index_cast %arg0 : i32 to index
      %get3A_29 = arith.index_cast %scan3A_25 : i32 to index
      %get3A_30 = memref.load %arg5[%get3A_28, %get3A_29] : memref<80x20xi32, #tpu.memory_space<smem>>
      %gt3A = arith.constant 0 : i32
      %gt3A_31 = arith.cmpi sgt, %get3A_30, %gt3A : i32
      %convert_element_type3A_32 = arith.extui %gt3A_31 : i1 to i32
      %cond3A = arith.constant 0 : i32
      %cond3A_33 = arith.cmpi ne, %convert_element_type3A_32, %cond3A : i32
      %cond3A_34:2 = scf.if %cond3A_33 -> (vector<128x128xf32>, vector<128x128xf32>) {
        %mul3A_35 = arith.constant 512 : i32
        %mul3A_36 = arith.muli %scan3A_25, %mul3A_35 : i32
        %multiple_of3A = tpu.assume_multiple %mul3A_36, 512 : i32
        %get3A_37 = arith.constant 0 : index
        %get3A_38 = arith.index_cast %multiple_of3A : i32 to index
        %get3A_39 = vector.load %arg2[%get3A_37, %get3A_38] : memref<256x10240xf32, #tpu.memory_space<vmem>>, vector<256x512xf32>
        %mul3A_40 = arith.mulf %get3A_39, %get3A_39 : vector<256x512xf32>
        %reduce_sum3A_41 = arith.constant dense<0.000000e+00> : vector<512xf32>
        %reduce_sum3A_42 = vector.multi_reduction <add>, %mul3A_40, %reduce_sum3A_41 [0] : vector<256x512xf32> to vector<512xf32>
        %broadcast_in_dim3A_43 = vector.shape_cast %reduce_sum3A_42 : vector<512xf32> to vector<1x512xf32>
        %dot_general3A = arith.constant dense<0.000000e+00> : vector<128x512xf32>
        %dot_general3A_44 = tpu.matmul %get3A_1, %get3A_39, %dot_general3A {dimension_numbers = #tpu.dot_dimension_numbers<[1], [0], [0], [1], [0, 0, 1, 1], [], []>, transpose_lhs_hint = false} : vector<128x256xf32>, vector<256x512xf32>, vector<128x512xf32> -> vector<128x512xf32>
        %add3A = vector.broadcast %broadcast_in_dim3A : vector<128x1xf32> to vector<128x512xf32>
        %add3A_45 = vector.broadcast %broadcast_in_dim3A_43 : vector<1x512xf32> to vector<128x512xf32>
        %add3A_46 = arith.addf %add3A, %add3A_45 : vector<128x512xf32>
        %mul3A_47 = arith.constant 2.000000e+00 : f32
        %mul3A_48 = vector.broadcast %mul3A_47 : f32 to vector<128x512xf32>
        %mul3A_49 = arith.mulf %mul3A_48, %dot_general3A_44 : vector<128x512xf32>
        %sub3A = arith.subf %add3A_46, %mul3A_49 : vector<128x512xf32>
        %get3A_50 = arith.constant 0 : index
        %get3A_51 = arith.index_cast %multiple_of3A : i32 to index
        %get3A_52 = vector.load %arg4[%get3A_50, %get3A_51] : memref<1x10240xi32, #tpu.memory_space<vmem>>, vector<1x512xi32>
        %eq3A = vector.broadcast %get3A_5 : vector<128x1xi32> to vector<128x512xi32>
        %eq3A_53 = vector.broadcast %get3A_52 : vector<1x512xi32> to vector<128x512xi32>
        %eq3A_54 = arith.cmpi eq, %eq3A, %eq3A_53 : vector<128x512xi32>
        %broadcast_in_dim3A_55 = vector.broadcast %scan3A : f32 to vector<128x512xf32>
        %select_n3A = arith.select %eq3A_54, %sub3A, %broadcast_in_dim3A_55 : vector<128x512xi1>, vector<128x512xf32>
        %mul3A_56 = arith.constant 512 : i32
        %mul3A_57 = arith.muli %scan3A_25, %mul3A_56 : i32
        %convert_element_type3A_58 = arith.sitofp %mul3A_57 : i32 to f32
        %iota3A = tpu.iota {dimensions = array<i32: 1>} : vector<128x512xi32>
        %convert_element_type3A_59 = arith.sitofp %iota3A : vector<128x512xi32> to vector<128x512xf32>
        %add3A_60 = vector.broadcast %convert_element_type3A_58 : f32 to vector<128x512xf32>
        %add3A_61 = arith.addf %add3A_60, %convert_element_type3A_59 : vector<128x512xf32>
        %concatenate3A = tpu.concatenate %scan3A_26, %select_n3A in 1 : vector<128x128xf32>, vector<128x512xf32> -> vector<128x640xf32>
        %concatenate3A_62 = tpu.concatenate %scan3A_27, %add3A_61 in 1 : vector<128x128xf32>, vector<128x512xf32> -> vector<128x640xf32>
        %slice3A_63 = vector.extract_strided_slice %concatenate3A {offsets = [0, 0], sizes = [32, 640], strides = [1, 1]} : vector<128x640xf32> to vector<32x640xf32>
        %slice3A_64 = vector.extract_strided_slice %concatenate3A_62 {offsets = [0, 0], sizes = [32, 640], strides = [1, 1]} : vector<128x640xf32> to vector<32x640xf32>
        %broadcast_in_dim3A_65 = arith.constant 0xFF800000 : f32
        %broadcast_in_dim3A_66 = vector.broadcast %broadcast_in_dim3A_65 : f32 to vector<32x1xf32>
        %gt3A_67 = vector.broadcast %broadcast_in_dim3A_66 : vector<32x1xf32> to vector<32x640xf32>
        %gt3A_68 = arith.cmpf ogt, %slice3A_63, %gt3A_67 : vector<32x640xf32>
        %broadcast_in_dim3A_69 = vector.broadcast %scan3A : f32 to vector<32x640xf32>
        %select_n3A_70 = arith.select %gt3A_68, %slice3A_63, %broadcast_in_dim3A_69 : vector<32x640xi1>, vector<32x640xf32>
        %reduce_min3A = arith.constant dense<0x7F800000> : vector<32xf32>
        %reduce_min3A_71 = vector.multi_reduction <minimumf>, %select_n3A_70, %reduce_min3A [1] : vector<32x640xf32> to vector<32xf32>
        %broadcast_in_dim3A_72 = vector.shape_cast %reduce_min3A_71 : vector<32xf32> to vector<32x1xf32>
        %eq3A_73 = vector.broadcast %broadcast_in_dim3A_72 : vector<32x1xf32> to vector<32x640xf32>
        %eq3A_74 = arith.cmpf oeq, %select_n3A_70, %eq3A_73 : vector<32x640xf32>
        %broadcast_in_dim3A_75 = vector.broadcast %scan3A_10 : f32 to vector<32x640xf32>
        %select_n3A_76 = arith.select %eq3A_74, %slice3A_64, %broadcast_in_dim3A_75 : vector<32x640xi1>, vector<32x640xf32>
        %reduce_min3A_77 = arith.constant dense<0x7F800000> : vector<32xf32>
        %reduce_min3A_78 = vector.multi_reduction <minimumf>, %select_n3A_76, %reduce_min3A_77 [1] : vector<32x640xf32> to vector<32xf32>
        %broadcast_in_dim3A_79 = vector.shape_cast %reduce_min3A_78 : vector<32xf32> to vector<32x1xf32>
        %gt3A_80 = vector.broadcast %broadcast_in_dim3A_72 : vector<32x1xf32> to vector<32x640xf32>
        %gt3A_81 = arith.cmpf ogt, %slice3A_63, %gt3A_80 : vector<32x640xf32>
        %broadcast_in_dim3A_82 = vector.broadcast %scan3A : f32 to vector<32x640xf32>
        %select_n3A_83 = arith.select %gt3A_81, %slice3A_63, %broadcast_in_dim3A_82 : vector<32x640xi1>, vector<32x640xf32>
        %reduce_min3A_84 = arith.constant dense<0x7F800000> : vector<32xf32>
        %reduce_min3A_85 = vector.multi_reduction <minimumf>, %select_n3A_83, %reduce_min3A_84 [1] : vector<32x640xf32> to vector<32xf32>
        %broadcast_in_dim3A_86 = vector.shape_cast %reduce_min3A_85 : vector<32xf32> to vector<32x1xf32>
        %eq3A_87 = vector.broadcast %broadcast_in_dim3A_86 : vector<32x1xf32> to vector<32x640xf32>
        %eq3A_88 = arith.cmpf oeq, %select_n3A_83, %eq3A_87 : vector<32x640xf32>
        %broadcast_in_dim3A_89 = vector.broadcast %scan3A_10 : f32 to vector<32x640xf32>
        %select_n3A_90 = arith.select %eq3A_88, %slice3A_64, %broadcast_in_dim3A_89 : vector<32x640xi1>, vector<32x640xf32>
        %reduce_min3A_91 = arith.constant dense<0x7F800000> : vector<32xf32>
        %reduce_min3A_92 = vector.multi_reduction <minimumf>, %select_n3A_90, %reduce_min3A_91 [1] : vector<32x640xf32> to vector<32xf32>
        %broadcast_in_dim3A_93 = vector.shape_cast %reduce_min3A_92 : vector<32xf32> to vector<32x1xf32>
        %gt3A_94 = vector.broadcast %broadcast_in_dim3A_86 : vector<32x1xf32> to vector<32x640xf32>
        %gt3A_95 = arith.cmpf ogt, %slice3A_63, %gt3A_94 : vector<32x640xf32>
        %broadcast_in_dim3A_96 = vector.broadcast %scan3A : f32 to vector<32x640xf32>
        %select_n3A_97 = arith.select %gt3A_95, %slice3A_63, %broadcast_in_dim3A_96 : vector<32x640xi1>, vector<32x640xf32>
        %reduce_min3A_98 = arith.constant dense<0x7F800000> : vector<32xf32>
        %reduce_min3A_99 = vector.multi_reduction <minimumf>, %select_n3A_97, %reduce_min3A_98 [1] : vector<32x640xf32> to vector<32xf32>
        %broadcast_in_dim3A_100 = vector.shape_cast %reduce_min3A_99 : vector<32xf32> to vector<32x1xf32>
        %eq3A_101 = vector.broadcast %broadcast_in_dim3A_100 : vector<32x1xf32> to vector<32x640xf32>
        %eq3A_102 = arith.cmpf oeq, %select_n3A_97, %eq3A_101 : vector<32x640xf32>
        %broadcast_in_dim3A_103 = vector.broadcast %scan3A_10 : f32 to vector<32x640xf32>
        %select_n3A_104 = arith.select %eq3A_102, %slice3A_64, %broadcast_in_dim3A_103 : vector<32x640xi1>, vector<32x640xf32>
        %reduce_min3A_105 = arith.constant dense<0x7F800000> : vector<32xf32>
        %reduce_min3A_106 = vector.multi_reduction <minimumf>, %select_n3A_104, %reduce_min3A_105 [1] : vector<32x640xf32> to vector<32xf32>
        %broadcast_in_dim3A_107 = vector.shape_cast %reduce_min3A_106 : vector<32xf32> to vector<32x1xf32>
        %gt3A_108 = vector.broadcast %broadcast_in_dim3A_100 : vector<32x1xf32> to vector<32x640xf32>
        %gt3A_109 = arith.cmpf ogt, %slice3A_63, %gt3A_108 : vector<32x640xf32>
        %broadcast_in_dim3A_110 = vector.broadcast %scan3A : f32 to vector<32x640xf32>
        %select_n3A_111 = arith.select %gt3A_109, %slice3A_63, %broadcast_in_dim3A_110 : vector<32x640xi1>, vector<32x640xf32>
        %reduce_min3A_112 = arith.constant dense<0x7F800000> : vector<32xf32>
        %reduce_min3A_113 = vector.multi_reduction <minimumf>, %select_n3A_111, %reduce_min3A_112 [1] : vector<32x640xf32> to vector<32xf32>
        %broadcast_in_dim3A_114 = vector.shape_cast %reduce_min3A_113 : vector<32xf32> to vector<32x1xf32>
        %eq3A_115 = vector.broadcast %broadcast_in_dim3A_114 : vector<32x1xf32> to vector<32x640xf32>
        %eq3A_116 = arith.cmpf oeq, %select_n3A_111, %eq3A_115 : vector<32x640xf32>
        %broadcast_in_dim3A_117 = vector.broadcast %scan3A_10 : f32 to vector<32x640xf32>
        %select_n3A_118 = arith.select %eq3A_116, %slice3A_64, %broadcast_in_dim3A_117 : vector<32x640xi1>, vector<32x640xf32>
        %reduce_min3A_119 = arith.constant dense<0x7F800000> : vector<32xf32>
        %reduce_min3A_120 = vector.multi_reduction <minimumf>, %select_n3A_118, %reduce_min3A_119 [1] : vector<32x640xf32> to vector<32xf32>
        %broadcast_in_dim3A_121 = vector.shape_cast %reduce_min3A_120 : vector<32xf32> to vector<32x1xf32>
        %gt3A_122 = vector.broadcast %broadcast_in_dim3A_114 : vector<32x1xf32> to vector<32x640xf32>
        %gt3A_123 = arith.cmpf ogt, %slice3A_63, %gt3A_122 : vector<32x640xf32>
        %broadcast_in_dim3A_124 = vector.broadcast %scan3A : f32 to vector<32x640xf32>
        %select_n3A_125 = arith.select %gt3A_123, %slice3A_63, %broadcast_in_dim3A_124 : vector<32x640xi1>, vector<32x640xf32>
        %reduce_min3A_126 = arith.constant dense<0x7F800000> : vector<32xf32>
        %reduce_min3A_127 = vector.multi_reduction <minimumf>, %select_n3A_125, %reduce_min3A_126 [1] : vector<32x640xf32> to vector<32xf32>
        %broadcast_in_dim3A_128 = vector.shape_cast %reduce_min3A_127 : vector<32xf32> to vector<32x1xf32>
        %eq3A_129 = vector.broadcast %broadcast_in_dim3A_128 : vector<32x1xf32> to vector<32x640xf32>
        %eq3A_130 = arith.cmpf oeq, %select_n3A_125, %eq3A_129 : vector<32x640xf32>
        %broadcast_in_dim3A_131 = vector.broadcast %scan3A_10 : f32 to vector<32x640xf32>
        %select_n3A_132 = arith.select %eq3A_130, %slice3A_64, %broadcast_in_dim3A_131 : vector<32x640xi1>, vector<32x640xf32>
        %reduce_min3A_133 = arith.constant dense<0x7F800000> : vector<32xf32>
        %reduce_min3A_134 = vector.multi_reduction <minimumf>, %select_n3A_132, %reduce_min3A_133 [1] : vector<32x640xf32> to vector<32xf32>
        %broadcast_in_dim3A_135 = vector.shape_cast %reduce_min3A_134 : vector<32xf32> to vector<32x1xf32>
        %gt3A_136 = vector.broadcast %broadcast_in_dim3A_128 : vector<32x1xf32> to vector<32x640xf32>
        %gt3A_137 = arith.cmpf ogt, %slice3A_63, %gt3A_136 : vector<32x640xf32>
        %broadcast_in_dim3A_138 = vector.broadcast %scan3A : f32 to vector<32x640xf32>
        %select_n3A_139 = arith.select %gt3A_137, %slice3A_63, %broadcast_in_dim3A_138 : vector<32x640xi1>, vector<32x640xf32>
        %reduce_min3A_140 = arith.constant dense<0x7F800000> : vector<32xf32>
        %reduce_min3A_141 = vector.multi_reduction <minimumf>, %select_n3A_139, %reduce_min3A_140 [1] : vector<32x640xf32> to vector<32xf32>
        %broadcast_in_dim3A_142 = vector.shape_cast %reduce_min3A_141 : vector<32xf32> to vector<32x1xf32>
        %eq3A_143 = vector.broadcast %broadcast_in_dim3A_142 : vector<32x1xf32> to vector<32x640xf32>
        %eq3A_144 = arith.cmpf oeq, %select_n3A_139, %eq3A_143 : vector<32x640xf32>
        %broadcast_in_dim3A_145 = vector.broadcast %scan3A_10 : f32 to vector<32x640xf32>
        %select_n3A_146 = arith.select %eq3A_144, %slice3A_64, %broadcast_in_dim3A_145 : vector<32x640xi1>, vector<32x640xf32>
        %reduce_min3A_147 = arith.constant dense<0x7F800000> : vector<32xf32>
        %reduce_min3A_148 = vector.multi_reduction <minimumf>, %select_n3A_146, %reduce_min3A_147 [1] : vector<32x640xf32> to vector<32xf32>
        %broadcast_in_dim3A_149 = vector.shape_cast %reduce_min3A_148 : vector<32xf32> to vector<32x1xf32>
        %gt3A_150 = vector.broadcast %broadcast_in_dim3A_142 : vector<32x1xf32> to vector<32x640xf32>
        %gt3A_151 = arith.cmpf ogt, %slice3A_63, %gt3A_150 : vector<32x640xf32>
        %broadcast_in_dim3A_152 = vector.broadcast %scan3A : f32 to vector<32x640xf32>
        %select_n3A_153 = arith.select %gt3A_151, %slice3A_63, %broadcast_in_dim3A_152 : vector<32x640xi1>, vector<32x640xf32>
        %reduce_min3A_154 = arith.constant dense<0x7F800000> : vector<32xf32>
        %reduce_min3A_155 = vector.multi_reduction <minimumf>, %select_n3A_153, %reduce_min3A_154 [1] : vector<32x640xf32> to vector<32xf32>
        %broadcast_in_dim3A_156 = vector.shape_cast %reduce_min3A_155 : vector<32xf32> to vector<32x1xf32>
        %eq3A_157 = vector.broadcast %broadcast_in_dim3A_156 : vector<32x1xf32> to vector<32x640xf32>
        %eq3A_158 = arith.cmpf oeq, %select_n3A_153, %eq3A_157 : vector<32x640xf32>
        %broadcast_in_dim3A_159 = vector.broadcast %scan3A_10 : f32 to vector<32x640xf32>
        %select_n3A_160 = arith.select %eq3A_158, %slice3A_64, %broadcast_in_dim3A_159 : vector<32x640xi1>, vector<32x640xf32>
        %reduce_min3A_161 = arith.constant dense<0x7F800000> : vector<32xf32>
        %reduce_min3A_162 = vector.multi_reduction <minimumf>, %select_n3A_160, %reduce_min3A_161 [1] : vector<32x640xf32> to vector<32xf32>
        %broadcast_in_dim3A_163 = vector.shape_cast %reduce_min3A_162 : vector<32xf32> to vector<32x1xf32>
        %gt3A_164 = vector.broadcast %broadcast_in_dim3A_156 : vector<32x1xf32> to vector<32x640xf32>
        %gt3A_165 = arith.cmpf ogt, %slice3A_63, %gt3A_164 : vector<32x640xf32>
        %broadcast_in_dim3A_166 = vector.broadcast %scan3A : f32 to vector<32x640xf32>
        %select_n3A_167 = arith.select %gt3A_165, %slice3A_63, %broadcast_in_dim3A_166 : vector<32x640xi1>, vector<32x640xf32>
        %reduce_min3A_168 = arith.constant dense<0x7F800000> : vector<32xf32>
        %reduce_min3A_169 = vector.multi_reduction <minimumf>, %select_n3A_167, %reduce_min3A_168 [1] : vector<32x640xf32> to vector<32xf32>
        %broadcast_in_dim3A_170 = vector.shape_cast %reduce_min3A_169 : vector<32xf32> to vector<32x1xf32>
        %eq3A_171 = vector.broadcast %broadcast_in_dim3A_170 : vector<32x1xf32> to vector<32x640xf32>
        %eq3A_172 = arith.cmpf oeq, %select_n3A_167, %eq3A_171 : vector<32x640xf32>
        %broadcast_in_dim3A_173 = vector.broadcast %scan3A_10 : f32 to vector<32x640xf32>
        %select_n3A_174 = arith.select %eq3A_172, %slice3A_64, %broadcast_in_dim3A_173 : vector<32x640xi1>, vector<32x640xf32>
        %reduce_min3A_175 = arith.constant dense<0x7F800000> : vector<32xf32>
        %reduce_min3A_176 = vector.multi_reduction <minimumf>, %select_n3A_174, %reduce_min3A_175 [1] : vector<32x640xf32> to vector<32xf32>
        %broadcast_in_dim3A_177 = vector.shape_cast %reduce_min3A_176 : vector<32xf32> to vector<32x1xf32>
        %gt3A_178 = vector.broadcast %broadcast_in_dim3A_170 : vector<32x1xf32> to vector<32x640xf32>
        %gt3A_179 = arith.cmpf ogt, %slice3A_63, %gt3A_178 : vector<32x640xf32>
        %broadcast_in_dim3A_180 = vector.broadcast %scan3A : f32 to vector<32x640xf32>
        %select_n3A_181 = arith.select %gt3A_179, %slice3A_63, %broadcast_in_dim3A_180 : vector<32x640xi1>, vector<32x640xf32>
        %reduce_min3A_182 = arith.constant dense<0x7F800000> : vector<32xf32>
        %reduce_min3A_183 = vector.multi_reduction <minimumf>, %select_n3A_181, %reduce_min3A_182 [1] : vector<32x640xf32> to vector<32xf32>
        %broadcast_in_dim3A_184 = vector.shape_cast %reduce_min3A_183 : vector<32xf32> to vector<32x1xf32>
        %eq3A_185 = vector.broadcast %broadcast_in_dim3A_184 : vector<32x1xf32> to vector<32x640xf32>
        %eq3A_186 = arith.cmpf oeq, %select_n3A_181, %eq3A_185 : vector<32x640xf32>
        %broadcast_in_dim3A_187 = vector.broadcast %scan3A_10 : f32 to vector<32x640xf32>
        %select_n3A_188 = arith.select %eq3A_186, %slice3A_64, %broadcast_in_dim3A_187 : vector<32x640xi1>, vector<32x640xf32>
        %reduce_min3A_189 = arith.constant dense<0x7F800000> : vector<32xf32>
        %reduce_min3A_190 = vector.multi_reduction <minimumf>, %select_n3A_188, %reduce_min3A_189 [1] : vector<32x640xf32> to vector<32xf32>
        %broadcast_in_dim3A_191 = vector.shape_cast %reduce_min3A_190 : vector<32xf32> to vector<32x1xf32>
        %gt3A_192 = vector.broadcast %broadcast_in_dim3A_184 : vector<32x1xf32> to vector<32x640xf32>
        %gt3A_193 = arith.cmpf ogt, %slice3A_63, %gt3A_192 : vector<32x640xf32>
        %broadcast_in_dim3A_194 = vector.broadcast %scan3A : f32 to vector<32x640xf32>
        %select_n3A_195 = arith.select %gt3A_193, %slice3A_63, %broadcast_in_dim3A_194 : vector<32x640xi1>, vector<32x640xf32>
        %reduce_min3A_196 = arith.constant dense<0x7F800000> : vector<32xf32>
        %reduce_min3A_197 = vector.multi_reduction <minimumf>, %select_n3A_195, %reduce_min3A_196 [1] : vector<32x640xf32> to vector<32xf32>
        %broadcast_in_dim3A_198 = vector.shape_cast %reduce_min3A_197 : vector<32xf32> to vector<32x1xf32>
        %eq3A_199 = vector.broadcast %broadcast_in_dim3A_198 : vector<32x1xf32> to vector<32x640xf32>
        %eq3A_200 = arith.cmpf oeq, %select_n3A_195, %eq3A_199 : vector<32x640xf32>
        %broadcast_in_dim3A_201 = vector.broadcast %scan3A_10 : f32 to vector<32x640xf32>
        %select_n3A_202 = arith.select %eq3A_200, %slice3A_64, %broadcast_in_dim3A_201 : vector<32x640xi1>, vector<32x640xf32>
        %reduce_min3A_203 = arith.constant dense<0x7F800000> : vector<32xf32>
        %reduce_min3A_204 = vector.multi_reduction <minimumf>, %select_n3A_202, %reduce_min3A_203 [1] : vector<32x640xf32> to vector<32xf32>
        %broadcast_in_dim3A_205 = vector.shape_cast %reduce_min3A_204 : vector<32xf32> to vector<32x1xf32>
        %gt3A_206 = vector.broadcast %broadcast_in_dim3A_198 : vector<32x1xf32> to vector<32x640xf32>
        %gt3A_207 = arith.cmpf ogt, %slice3A_63, %gt3A_206 : vector<32x640xf32>
        %broadcast_in_dim3A_208 = vector.broadcast %scan3A : f32 to vector<32x640xf32>
        %select_n3A_209 = arith.select %gt3A_207, %slice3A_63, %broadcast_in_dim3A_208 : vector<32x640xi1>, vector<32x640xf32>
        %reduce_min3A_210 = arith.constant dense<0x7F800000> : vector<32xf32>
        %reduce_min3A_211 = vector.multi_reduction <minimumf>, %select_n3A_209, %reduce_min3A_210 [1] : vector<32x640xf32> to vector<32xf32>
        %broadcast_in_dim3A_212 = vector.shape_cast %reduce_min3A_211 : vector<32xf32> to vector<32x1xf32>
        %eq3A_213 = vector.broadcast %broadcast_in_dim3A_212 : vector<32x1xf32> to vector<32x640xf32>
        %eq3A_214 = arith.cmpf oeq, %select_n3A_209, %eq3A_213 : vector<32x640xf32>
        %broadcast_in_dim3A_215 = vector.broadcast %scan3A_10 : f32 to vector<32x640xf32>
        %select_n3A_216 = arith.select %eq3A_214, %slice3A_64, %broadcast_in_dim3A_215 : vector<32x640xi1>, vector<32x640xf32>
        %reduce_min3A_217 = arith.constant dense<0x7F800000> : vector<32xf32>
        %reduce_min3A_218 = vector.multi_reduction <minimumf>, %select_n3A_216, %reduce_min3A_217 [1] : vector<32x640xf32> to vector<32xf32>
        %broadcast_in_dim3A_219 = vector.shape_cast %reduce_min3A_218 : vector<32xf32> to vector<32x1xf32>
        %gt3A_220 = vector.broadcast %broadcast_in_dim3A_212 : vector<32x1xf32> to vector<32x640xf32>
        %gt3A_221 = arith.cmpf ogt, %slice3A_63, %gt3A_220 : vector<32x640xf32>
        %broadcast_in_dim3A_222 = vector.broadcast %scan3A : f32 to vector<32x640xf32>
        %select_n3A_223 = arith.select %gt3A_221, %slice3A_63, %broadcast_in_dim3A_222 : vector<32x640xi1>, vector<32x640xf32>
        %reduce_min3A_224 = arith.constant dense<0x7F800000> : vector<32xf32>
        %reduce_min3A_225 = vector.multi_reduction <minimumf>, %select_n3A_223, %reduce_min3A_224 [1] : vector<32x640xf32> to vector<32xf32>
        %broadcast_in_dim3A_226 = vector.shape_cast %reduce_min3A_225 : vector<32xf32> to vector<32x1xf32>
        %eq3A_227 = vector.broadcast %broadcast_in_dim3A_226 : vector<32x1xf32> to vector<32x640xf32>
        %eq3A_228 = arith.cmpf oeq, %select_n3A_223, %eq3A_227 : vector<32x640xf32>
        %broadcast_in_dim3A_229 = vector.broadcast %scan3A_10 : f32 to vector<32x640xf32>
        %select_n3A_230 = arith.select %eq3A_228, %slice3A_64, %broadcast_in_dim3A_229 : vector<32x640xi1>, vector<32x640xf32>
        %reduce_min3A_231 = arith.constant dense<0x7F800000> : vector<32xf32>
        %reduce_min3A_232 = vector.multi_reduction <minimumf>, %select_n3A_230, %reduce_min3A_231 [1] : vector<32x640xf32> to vector<32xf32>
        %broadcast_in_dim3A_233 = vector.shape_cast %reduce_min3A_232 : vector<32xf32> to vector<32x1xf32>
        %gt3A_234 = vector.broadcast %broadcast_in_dim3A_226 : vector<32x1xf32> to vector<32x640xf32>
        %gt3A_235 = arith.cmpf ogt, %slice3A_63, %gt3A_234 : vector<32x640xf32>
        %broadcast_in_dim3A_236 = vector.broadcast %scan3A : f32 to vector<32x640xf32>
        %select_n3A_237 = arith.select %gt3A_235, %slice3A_63, %broadcast_in_dim3A_236 : vector<32x640xi1>, vector<32x640xf32>
        %reduce_min3A_238 = arith.constant dense<0x7F800000> : vector<32xf32>
        %reduce_min3A_239 = vector.multi_reduction <minimumf>, %select_n3A_237, %reduce_min3A_238 [1] : vector<32x640xf32> to vector<32xf32>
        %broadcast_in_dim3A_240 = vector.shape_cast %reduce_min3A_239 : vector<32xf32> to vector<32x1xf32>
        %eq3A_241 = vector.broadcast %broadcast_in_dim3A_240 : vector<32x1xf32> to vector<32x640xf32>
        %eq3A_242 = arith.cmpf oeq, %select_n3A_237, %eq3A_241 : vector<32x640xf32>
        %broadcast_in_dim3A_243 = vector.broadcast %scan3A_10 : f32 to vector<32x640xf32>
        %select_n3A_244 = arith.select %eq3A_242, %slice3A_64, %broadcast_in_dim3A_243 : vector<32x640xi1>, vector<32x640xf32>
        %reduce_min3A_245 = arith.constant dense<0x7F800000> : vector<32xf32>
        %reduce_min3A_246 = vector.multi_reduction <minimumf>, %select_n3A_244, %reduce_min3A_245 [1] : vector<32x640xf32> to vector<32xf32>
        %broadcast_in_dim3A_247 = vector.shape_cast %reduce_min3A_246 : vector<32xf32> to vector<32x1xf32>
        %gt3A_248 = vector.broadcast %broadcast_in_dim3A_240 : vector<32x1xf32> to vector<32x640xf32>
        %gt3A_249 = arith.cmpf ogt, %slice3A_63, %gt3A_248 : vector<32x640xf32>
        %broadcast_in_dim3A_250 = vector.broadcast %scan3A : f32 to vector<32x640xf32>
        %select_n3A_251 = arith.select %gt3A_249, %slice3A_63, %broadcast_in_dim3A_250 : vector<32x640xi1>, vector<32x640xf32>
        %reduce_min3A_252 = arith.constant dense<0x7F800000> : vector<32xf32>
        %reduce_min3A_253 = vector.multi_reduction <minimumf>, %select_n3A_251, %reduce_min3A_252 [1] : vector<32x640xf32> to vector<32xf32>
        %broadcast_in_dim3A_254 = vector.shape_cast %reduce_min3A_253 : vector<32xf32> to vector<32x1xf32>
        %eq3A_255 = vector.broadcast %broadcast_in_dim3A_254 : vector<32x1xf32> to vector<32x640xf32>
        %eq3A_256 = arith.cmpf oeq, %select_n3A_251, %eq3A_255 : vector<32x640xf32>
        %broadcast_in_dim3A_257 = vector.broadcast %scan3A_10 : f32 to vector<32x640xf32>
        %select_n3A_258 = arith.select %eq3A_256, %slice3A_64, %broadcast_in_dim3A_257 : vector<32x640xi1>, vector<32x640xf32>
        %reduce_min3A_259 = arith.constant dense<0x7F800000> : vector<32xf32>
        %reduce_min3A_260 = vector.multi_reduction <minimumf>, %select_n3A_258, %reduce_min3A_259 [1] : vector<32x640xf32> to vector<32xf32>
        %broadcast_in_dim3A_261 = vector.shape_cast %reduce_min3A_260 : vector<32xf32> to vector<32x1xf32>
        %gt3A_262 = vector.broadcast %broadcast_in_dim3A_254 : vector<32x1xf32> to vector<32x640xf32>
        %gt3A_263 = arith.cmpf ogt, %slice3A_63, %gt3A_262 : vector<32x640xf32>
        %broadcast_in_dim3A_264 = vector.broadcast %scan3A : f32 to vector<32x640xf32>
        %select_n3A_265 = arith.select %gt3A_263, %slice3A_63, %broadcast_in_dim3A_264 : vector<32x640xi1>, vector<32x640xf32>
        %reduce_min3A_266 = arith.constant dense<0x7F800000> : vector<32xf32>
        %reduce_min3A_267 = vector.multi_reduction <minimumf>, %select_n3A_265, %reduce_min3A_266 [1] : vector<32x640xf32> to vector<32xf32>
        %broadcast_in_dim3A_268 = vector.shape_cast %reduce_min3A_267 : vector<32xf32> to vector<32x1xf32>
        %eq3A_269 = vector.broadcast %broadcast_in_dim3A_268 : vector<32x1xf32> to vector<32x640xf32>
        %eq3A_270 = arith.cmpf oeq, %select_n3A_265, %eq3A_269 : vector<32x640xf32>
        %broadcast_in_dim3A_271 = vector.broadcast %scan3A_10 : f32 to vector<32x640xf32>
        %select_n3A_272 = arith.select %eq3A_270, %slice3A_64, %broadcast_in_dim3A_271 : vector<32x640xi1>, vector<32x640xf32>
        %reduce_min3A_273 = arith.constant dense<0x7F800000> : vector<32xf32>
        %reduce_min3A_274 = vector.multi_reduction <minimumf>, %select_n3A_272, %reduce_min3A_273 [1] : vector<32x640xf32> to vector<32xf32>
        %broadcast_in_dim3A_275 = vector.shape_cast %reduce_min3A_274 : vector<32xf32> to vector<32x1xf32>
        %gt3A_276 = vector.broadcast %broadcast_in_dim3A_268 : vector<32x1xf32> to vector<32x640xf32>
        %gt3A_277 = arith.cmpf ogt, %slice3A_63, %gt3A_276 : vector<32x640xf32>
        %broadcast_in_dim3A_278 = vector.broadcast %scan3A : f32 to vector<32x640xf32>
        %select_n3A_279 = arith.select %gt3A_277, %slice3A_63, %broadcast_in_dim3A_278 : vector<32x640xi1>, vector<32x640xf32>
        %reduce_min3A_280 = arith.constant dense<0x7F800000> : vector<32xf32>
        %reduce_min3A_281 = vector.multi_reduction <minimumf>, %select_n3A_279, %reduce_min3A_280 [1] : vector<32x640xf32> to vector<32xf32>
        %broadcast_in_dim3A_282 = vector.shape_cast %reduce_min3A_281 : vector<32xf32> to vector<32x1xf32>
        %eq3A_283 = vector.broadcast %broadcast_in_dim3A_282 : vector<32x1xf32> to vector<32x640xf32>
        %eq3A_284 = arith.cmpf oeq, %select_n3A_279, %eq3A_283 : vector<32x640xf32>
        %broadcast_in_dim3A_285 = vector.broadcast %scan3A_10 : f32 to vector<32x640xf32>
        %select_n3A_286 = arith.select %eq3A_284, %slice3A_64, %broadcast_in_dim3A_285 : vector<32x640xi1>, vector<32x640xf32>
        %reduce_min3A_287 = arith.constant dense<0x7F800000> : vector<32xf32>
        %reduce_min3A_288 = vector.multi_reduction <minimumf>, %select_n3A_286, %reduce_min3A_287 [1] : vector<32x640xf32> to vector<32xf32>
        %broadcast_in_dim3A_289 = vector.shape_cast %reduce_min3A_288 : vector<32xf32> to vector<32x1xf32>
        %gt3A_290 = vector.broadcast %broadcast_in_dim3A_282 : vector<32x1xf32> to vector<32x640xf32>
        %gt3A_291 = arith.cmpf ogt, %slice3A_63, %gt3A_290 : vector<32x640xf32>
        %broadcast_in_dim3A_292 = vector.broadcast %scan3A : f32 to vector<32x640xf32>
        %select_n3A_293 = arith.select %gt3A_291, %slice3A_63, %broadcast_in_dim3A_292 : vector<32x640xi1>, vector<32x640xf32>
        %reduce_min3A_294 = arith.constant dense<0x7F800000> : vector<32xf32>
        %reduce_min3A_295 = vector.multi_reduction <minimumf>, %select_n3A_293, %reduce_min3A_294 [1] : vector<32x640xf32> to vector<32xf32>
        %broadcast_in_dim3A_296 = vector.shape_cast %reduce_min3A_295 : vector<32xf32> to vector<32x1xf32>
        %eq3A_297 = vector.broadcast %broadcast_in_dim3A_296 : vector<32x1xf32> to vector<32x640xf32>
        %eq3A_298 = arith.cmpf oeq, %select_n3A_293, %eq3A_297 : vector<32x640xf32>
        %broadcast_in_dim3A_299 = vector.broadcast %scan3A_10 : f32 to vector<32x640xf32>
        %select_n3A_300 = arith.select %eq3A_298, %slice3A_64, %broadcast_in_dim3A_299 : vector<32x640xi1>, vector<32x640xf32>
        %reduce_min3A_301 = arith.constant dense<0x7F800000> : vector<32xf32>
        %reduce_min3A_302 = vector.multi_reduction <minimumf>, %select_n3A_300, %reduce_min3A_301 [1] : vector<32x640xf32> to vector<32xf32>
        %broadcast_in_dim3A_303 = vector.shape_cast %reduce_min3A_302 : vector<32xf32> to vector<32x1xf32>
        %gt3A_304 = vector.broadcast %broadcast_in_dim3A_296 : vector<32x1xf32> to vector<32x640xf32>
        %gt3A_305 = arith.cmpf ogt, %slice3A_63, %gt3A_304 : vector<32x640xf32>
        %broadcast_in_dim3A_306 = vector.broadcast %scan3A : f32 to vector<32x640xf32>
        %select_n3A_307 = arith.select %gt3A_305, %slice3A_63, %broadcast_in_dim3A_306 : vector<32x640xi1>, vector<32x640xf32>
        %reduce_min3A_308 = arith.constant dense<0x7F800000> : vector<32xf32>
        %reduce_min3A_309 = vector.multi_reduction <minimumf>, %select_n3A_307, %reduce_min3A_308 [1] : vector<32x640xf32> to vector<32xf32>
        %broadcast_in_dim3A_310 = vector.shape_cast %reduce_min3A_309 : vector<32xf32> to vector<32x1xf32>
        %eq3A_311 = vector.broadcast %broadcast_in_dim3A_310 : vector<32x1xf32> to vector<32x640xf32>
        %eq3A_312 = arith.cmpf oeq, %select_n3A_307, %eq3A_311 : vector<32x640xf32>
        %broadcast_in_dim3A_313 = vector.broadcast %scan3A_10 : f32 to vector<32x640xf32>
        %select_n3A_314 = arith.select %eq3A_312, %slice3A_64, %broadcast_in_dim3A_313 : vector<32x640xi1>, vector<32x640xf32>
        %reduce_min3A_315 = arith.constant dense<0x7F800000> : vector<32xf32>
        %reduce_min3A_316 = vector.multi_reduction <minimumf>, %select_n3A_314, %reduce_min3A_315 [1] : vector<32x640xf32> to vector<32xf32>
        %broadcast_in_dim3A_317 = vector.shape_cast %reduce_min3A_316 : vector<32xf32> to vector<32x1xf32>
        %gt3A_318 = vector.broadcast %broadcast_in_dim3A_310 : vector<32x1xf32> to vector<32x640xf32>
        %gt3A_319 = arith.cmpf ogt, %slice3A_63, %gt3A_318 : vector<32x640xf32>
        %broadcast_in_dim3A_320 = vector.broadcast %scan3A : f32 to vector<32x640xf32>
        %select_n3A_321 = arith.select %gt3A_319, %slice3A_63, %broadcast_in_dim3A_320 : vector<32x640xi1>, vector<32x640xf32>
        %reduce_min3A_322 = arith.constant dense<0x7F800000> : vector<32xf32>
        %reduce_min3A_323 = vector.multi_reduction <minimumf>, %select_n3A_321, %reduce_min3A_322 [1] : vector<32x640xf32> to vector<32xf32>
        %broadcast_in_dim3A_324 = vector.shape_cast %reduce_min3A_323 : vector<32xf32> to vector<32x1xf32>
        %eq3A_325 = vector.broadcast %broadcast_in_dim3A_324 : vector<32x1xf32> to vector<32x640xf32>
        %eq3A_326 = arith.cmpf oeq, %select_n3A_321, %eq3A_325 : vector<32x640xf32>
        %broadcast_in_dim3A_327 = vector.broadcast %scan3A_10 : f32 to vector<32x640xf32>
        %select_n3A_328 = arith.select %eq3A_326, %slice3A_64, %broadcast_in_dim3A_327 : vector<32x640xi1>, vector<32x640xf32>
        %reduce_min3A_329 = arith.constant dense<0x7F800000> : vector<32xf32>
        %reduce_min3A_330 = vector.multi_reduction <minimumf>, %select_n3A_328, %reduce_min3A_329 [1] : vector<32x640xf32> to vector<32xf32>
        %broadcast_in_dim3A_331 = vector.shape_cast %reduce_min3A_330 : vector<32xf32> to vector<32x1xf32>
        %gt3A_332 = vector.broadcast %broadcast_in_dim3A_324 : vector<32x1xf32> to vector<32x640xf32>
        %gt3A_333 = arith.cmpf ogt, %slice3A_63, %gt3A_332 : vector<32x640xf32>
        %broadcast_in_dim3A_334 = vector.broadcast %scan3A : f32 to vector<32x640xf32>
        %select_n3A_335 = arith.select %gt3A_333, %slice3A_63, %broadcast_in_dim3A_334 : vector<32x640xi1>, vector<32x640xf32>
        %reduce_min3A_336 = arith.constant dense<0x7F800000> : vector<32xf32>
        %reduce_min3A_337 = vector.multi_reduction <minimumf>, %select_n3A_335, %reduce_min3A_336 [1] : vector<32x640xf32> to vector<32xf32>
        %broadcast_in_dim3A_338 = vector.shape_cast %reduce_min3A_337 : vector<32xf32> to vector<32x1xf32>
        %eq3A_339 = vector.broadcast %broadcast_in_dim3A_338 : vector<32x1xf32> to vector<32x640xf32>
        %eq3A_340 = arith.cmpf oeq, %select_n3A_335, %eq3A_339 : vector<32x640xf32>
        %broadcast_in_dim3A_341 = vector.broadcast %scan3A_10 : f32 to vector<32x640xf32>
        %select_n3A_342 = arith.select %eq3A_340, %slice3A_64, %broadcast_in_dim3A_341 : vector<32x640xi1>, vector<32x640xf32>
        %reduce_min3A_343 = arith.constant dense<0x7F800000> : vector<32xf32>
        %reduce_min3A_344 = vector.multi_reduction <minimumf>, %select_n3A_342, %reduce_min3A_343 [1] : vector<32x640xf32> to vector<32xf32>
        %broadcast_in_dim3A_345 = vector.shape_cast %reduce_min3A_344 : vector<32xf32> to vector<32x1xf32>
        %broadcast_in_dim3A_346 = vector.broadcast %scan3A : f32 to vector<32x108xf32>
        %broadcast_in_dim3A_347 = vector.broadcast %scan3A_10 : f32 to vector<32x108xf32>
        %concatenate3A_348 = tpu.concatenate %broadcast_in_dim3A_72, %broadcast_in_dim3A_86, %broadcast_in_dim3A_100, %broadcast_in_dim3A_114, %broadcast_in_dim3A_128, %broadcast_in_dim3A_142, %broadcast_in_dim3A_156, %broadcast_in_dim3A_170, %broadcast_in_dim3A_184, %broadcast_in_dim3A_198, %broadcast_in_dim3A_212, %broadcast_in_dim3A_226, %broadcast_in_dim3A_240, %broadcast_in_dim3A_254, %broadcast_in_dim3A_268, %broadcast_in_dim3A_282, %broadcast_in_dim3A_296, %broadcast_in_dim3A_310, %broadcast_in_dim3A_324, %broadcast_in_dim3A_338, %broadcast_in_dim3A_346 in 1 : vector<32x1xf32>, vector<32x1xf32>, vector<32x1xf32>, vector<32x1xf32>, vector<32x1xf32>, vector<32x1xf32>, vector<32x1xf32>, vector<32x1xf32>, vector<32x1xf32>, vector<32x1xf32>, vector<32x1xf32>, vector<32x1xf32>, vector<32x1xf32>, vector<32x1xf32>, vector<32x1xf32>, vector<32x1xf32>, vector<32x1xf32>, vector<32x1xf32>, vector<32x1xf32>, vector<32x1xf32>, vector<32x108xf32> -> vector<32x128xf32>
        %concatenate3A_349 = tpu.concatenate %broadcast_in_dim3A_79, %broadcast_in_dim3A_93, %broadcast_in_dim3A_107, %broadcast_in_dim3A_121, %broadcast_in_dim3A_135, %broadcast_in_dim3A_149, %broadcast_in_dim3A_163, %broadcast_in_dim3A_177, %broadcast_in_dim3A_191, %broadcast_in_dim3A_205, %broadcast_in_dim3A_219, %broadcast_in_dim3A_233, %broadcast_in_dim3A_247, %broadcast_in_dim3A_261, %broadcast_in_dim3A_275, %broadcast_in_dim3A_289, %broadcast_in_dim3A_303, %broadcast_in_dim3A_317, %broadcast_in_dim3A_331, %broadcast_in_dim3A_345, %broadcast_in_dim3A_347 in 1 : vector<32x1xf32>, vector<32x1xf32>, vector<32x1xf32>, vector<32x1xf32>, vector<32x1xf32>, vector<32x1xf32>, vector<32x1xf32>, vector<32x1xf32>, vector<32x1xf32>, vector<32x1xf32>, vector<32x1xf32>, vector<32x1xf32>, vector<32x1xf32>, vector<32x1xf32>, vector<32x1xf32>, vector<32x1xf32>, vector<32x1xf32>, vector<32x1xf32>, vector<32x1xf32>, vector<32x1xf32>, vector<32x108xf32> -> vector<32x128xf32>
        %slice3A_350 = vector.extract_strided_slice %concatenate3A {offsets = [32, 0], sizes = [32, 640], strides = [1, 1]} : vector<128x640xf32> to vector<32x640xf32>
        %slice3A_351 = vector.extract_strided_slice %concatenate3A_62 {offsets = [32, 0], sizes = [32, 640], strides = [1, 1]} : vector<128x640xf32> to vector<32x640xf32>
        %broadcast_in_dim3A_352 = arith.constant 0xFF800000 : f32
        %broadcast_in_dim3A_353 = vector.broadcast %broadcast_in_dim3A_352 : f32 to vector<32x1xf32>
        %gt3A_354 = vector.broadcast %broadcast_in_dim3A_353 : vector<32x1xf32> to vector<32x640xf32>
        %gt3A_355 = arith.cmpf ogt, %slice3A_350, %gt3A_354 : vector<32x640xf32>
        %broadcast_in_dim3A_356 = vector.broadcast %scan3A : f32 to vector<32x640xf32>
        %select_n3A_357 = arith.select %gt3A_355, %slice3A_350, %broadcast_in_dim3A_356 : vector<32x640xi1>, vector<32x640xf32>
        %reduce_min3A_358 = arith.constant dense<0x7F800000> : vector<32xf32>
        %reduce_min3A_359 = vector.multi_reduction <minimumf>, %select_n3A_357, %reduce_min3A_358 [1] : vector<32x640xf32> to vector<32xf32>
        %broadcast_in_dim3A_360 = vector.shape_cast %reduce_min3A_359 : vector<32xf32> to vector<32x1xf32>
        %eq3A_361 = vector.broadcast %broadcast_in_dim3A_360 : vector<32x1xf32> to vector<32x640xf32>
        %eq3A_362 = arith.cmpf oeq, %select_n3A_357, %eq3A_361 : vector<32x640xf32>
        %broadcast_in_dim3A_363 = vector.broadcast %scan3A_10 : f32 to vector<32x640xf32>
        %select_n3A_364 = arith.select %eq3A_362, %slice3A_351, %broadcast_in_dim3A_363 : vector<32x640xi1>, vector<32x640xf32>
        %reduce_min3A_365 = arith.constant dense<0x7F800000> : vector<32xf32>
        %reduce_min3A_366 = vector.multi_reduction <minimumf>, %select_n3A_364, %reduce_min3A_365 [1] : vector<32x640xf32> to vector<32xf32>
        %broadcast_in_dim3A_367 = vector.shape_cast %reduce_min3A_366 : vector<32xf32> to vector<32x1xf32>
        %gt3A_368 = vector.broadcast %broadcast_in_dim3A_360 : vector<32x1xf32> to vector<32x640xf32>
        %gt3A_369 = arith.cmpf ogt, %slice3A_350, %gt3A_368 : vector<32x640xf32>
        %broadcast_in_dim3A_370 = vector.broadcast %scan3A : f32 to vector<32x640xf32>
        %select_n3A_371 = arith.select %gt3A_369, %slice3A_350, %broadcast_in_dim3A_370 : vector<32x640xi1>, vector<32x640xf32>
        %reduce_min3A_372 = arith.constant dense<0x7F800000> : vector<32xf32>
        %reduce_min3A_373 = vector.multi_reduction <minimumf>, %select_n3A_371, %reduce_min3A_372 [1] : vector<32x640xf32> to vector<32xf32>
        %broadcast_in_dim3A_374 = vector.shape_cast %reduce_min3A_373 : vector<32xf32> to vector<32x1xf32>
        %eq3A_375 = vector.broadcast %broadcast_in_dim3A_374 : vector<32x1xf32> to vector<32x640xf32>
        %eq3A_376 = arith.cmpf oeq, %select_n3A_371, %eq3A_375 : vector<32x640xf32>
        %broadcast_in_dim3A_377 = vector.broadcast %scan3A_10 : f32 to vector<32x640xf32>
        %select_n3A_378 = arith.select %eq3A_376, %slice3A_351, %broadcast_in_dim3A_377 : vector<32x640xi1>, vector<32x640xf32>
        %reduce_min3A_379 = arith.constant dense<0x7F800000> : vector<32xf32>
        %reduce_min3A_380 = vector.multi_reduction <minimumf>, %select_n3A_378, %reduce_min3A_379 [1] : vector<32x640xf32> to vector<32xf32>
        %broadcast_in_dim3A_381 = vector.shape_cast %reduce_min3A_380 : vector<32xf32> to vector<32x1xf32>
        %gt3A_382 = vector.broadcast %broadcast_in_dim3A_374 : vector<32x1xf32> to vector<32x640xf32>
        %gt3A_383 = arith.cmpf ogt, %slice3A_350, %gt3A_382 : vector<32x640xf32>
        %broadcast_in_dim3A_384 = vector.broadcast %scan3A : f32 to vector<32x640xf32>
        %select_n3A_385 = arith.select %gt3A_383, %slice3A_350, %broadcast_in_dim3A_384 : vector<32x640xi1>, vector<32x640xf32>
        %reduce_min3A_386 = arith.constant dense<0x7F800000> : vector<32xf32>
        %reduce_min3A_387 = vector.multi_reduction <minimumf>, %select_n3A_385, %reduce_min3A_386 [1] : vector<32x640xf32> to vector<32xf32>
        %broadcast_in_dim3A_388 = vector.shape_cast %reduce_min3A_387 : vector<32xf32> to vector<32x1xf32>
        %eq3A_389 = vector.broadcast %broadcast_in_dim3A_388 : vector<32x1xf32> to vector<32x640xf32>
        %eq3A_390 = arith.cmpf oeq, %select_n3A_385, %eq3A_389 : vector<32x640xf32>
        %broadcast_in_dim3A_391 = vector.broadcast %scan3A_10 : f32 to vector<32x640xf32>
        %select_n3A_392 = arith.select %eq3A_390, %slice3A_351, %broadcast_in_dim3A_391 : vector<32x640xi1>, vector<32x640xf32>
        %reduce_min3A_393 = arith.constant dense<0x7F800000> : vector<32xf32>
        %reduce_min3A_394 = vector.multi_reduction <minimumf>, %select_n3A_392, %reduce_min3A_393 [1] : vector<32x640xf32> to vector<32xf32>
        %broadcast_in_dim3A_395 = vector.shape_cast %reduce_min3A_394 : vector<32xf32> to vector<32x1xf32>
        %gt3A_396 = vector.broadcast %broadcast_in_dim3A_388 : vector<32x1xf32> to vector<32x640xf32>
        %gt3A_397 = arith.cmpf ogt, %slice3A_350, %gt3A_396 : vector<32x640xf32>
        %broadcast_in_dim3A_398 = vector.broadcast %scan3A : f32 to vector<32x640xf32>
        %select_n3A_399 = arith.select %gt3A_397, %slice3A_350, %broadcast_in_dim3A_398 : vector<32x640xi1>, vector<32x640xf32>
        %reduce_min3A_400 = arith.constant dense<0x7F800000> : vector<32xf32>
        %reduce_min3A_401 = vector.multi_reduction <minimumf>, %select_n3A_399, %reduce_min3A_400 [1] : vector<32x640xf32> to vector<32xf32>
        %broadcast_in_dim3A_402 = vector.shape_cast %reduce_min3A_401 : vector<32xf32> to vector<32x1xf32>
        %eq3A_403 = vector.broadcast %broadcast_in_dim3A_402 : vector<32x1xf32> to vector<32x640xf32>
        %eq3A_404 = arith.cmpf oeq, %select_n3A_399, %eq3A_403 : vector<32x640xf32>
        %broadcast_in_dim3A_405 = vector.broadcast %scan3A_10 : f32 to vector<32x640xf32>
        %select_n3A_406 = arith.select %eq3A_404, %slice3A_351, %broadcast_in_dim3A_405 : vector<32x640xi1>, vector<32x640xf32>
        %reduce_min3A_407 = arith.constant dense<0x7F800000> : vector<32xf32>
        %reduce_min3A_408 = vector.multi_reduction <minimumf>, %select_n3A_406, %reduce_min3A_407 [1] : vector<32x640xf32> to vector<32xf32>
        %broadcast_in_dim3A_409 = vector.shape_cast %reduce_min3A_408 : vector<32xf32> to vector<32x1xf32>
        %gt3A_410 = vector.broadcast %broadcast_in_dim3A_402 : vector<32x1xf32> to vector<32x640xf32>
        %gt3A_411 = arith.cmpf ogt, %slice3A_350, %gt3A_410 : vector<32x640xf32>
        %broadcast_in_dim3A_412 = vector.broadcast %scan3A : f32 to vector<32x640xf32>
        %select_n3A_413 = arith.select %gt3A_411, %slice3A_350, %broadcast_in_dim3A_412 : vector<32x640xi1>, vector<32x640xf32>
        %reduce_min3A_414 = arith.constant dense<0x7F800000> : vector<32xf32>
        %reduce_min3A_415 = vector.multi_reduction <minimumf>, %select_n3A_413, %reduce_min3A_414 [1] : vector<32x640xf32> to vector<32xf32>
        %broadcast_in_dim3A_416 = vector.shape_cast %reduce_min3A_415 : vector<32xf32> to vector<32x1xf32>
        %eq3A_417 = vector.broadcast %broadcast_in_dim3A_416 : vector<32x1xf32> to vector<32x640xf32>
        %eq3A_418 = arith.cmpf oeq, %select_n3A_413, %eq3A_417 : vector<32x640xf32>
        %broadcast_in_dim3A_419 = vector.broadcast %scan3A_10 : f32 to vector<32x640xf32>
        %select_n3A_420 = arith.select %eq3A_418, %slice3A_351, %broadcast_in_dim3A_419 : vector<32x640xi1>, vector<32x640xf32>
        %reduce_min3A_421 = arith.constant dense<0x7F800000> : vector<32xf32>
        %reduce_min3A_422 = vector.multi_reduction <minimumf>, %select_n3A_420, %reduce_min3A_421 [1] : vector<32x640xf32> to vector<32xf32>
        %broadcast_in_dim3A_423 = vector.shape_cast %reduce_min3A_422 : vector<32xf32> to vector<32x1xf32>
        %gt3A_424 = vector.broadcast %broadcast_in_dim3A_416 : vector<32x1xf32> to vector<32x640xf32>
        %gt3A_425 = arith.cmpf ogt, %slice3A_350, %gt3A_424 : vector<32x640xf32>
        %broadcast_in_dim3A_426 = vector.broadcast %scan3A : f32 to vector<32x640xf32>
        %select_n3A_427 = arith.select %gt3A_425, %slice3A_350, %broadcast_in_dim3A_426 : vector<32x640xi1>, vector<32x640xf32>
        %reduce_min3A_428 = arith.constant dense<0x7F800000> : vector<32xf32>
        %reduce_min3A_429 = vector.multi_reduction <minimumf>, %select_n3A_427, %reduce_min3A_428 [1] : vector<32x640xf32> to vector<32xf32>
        %broadcast_in_dim3A_430 = vector.shape_cast %reduce_min3A_429 : vector<32xf32> to vector<32x1xf32>
        %eq3A_431 = vector.broadcast %broadcast_in_dim3A_430 : vector<32x1xf32> to vector<32x640xf32>
        %eq3A_432 = arith.cmpf oeq, %select_n3A_427, %eq3A_431 : vector<32x640xf32>
        %broadcast_in_dim3A_433 = vector.broadcast %scan3A_10 : f32 to vector<32x640xf32>
        %select_n3A_434 = arith.select %eq3A_432, %slice3A_351, %broadcast_in_dim3A_433 : vector<32x640xi1>, vector<32x640xf32>
        %reduce_min3A_435 = arith.constant dense<0x7F800000> : vector<32xf32>
        %reduce_min3A_436 = vector.multi_reduction <minimumf>, %select_n3A_434, %reduce_min3A_435 [1] : vector<32x640xf32> to vector<32xf32>
        %broadcast_in_dim3A_437 = vector.shape_cast %reduce_min3A_436 : vector<32xf32> to vector<32x1xf32>
        %gt3A_438 = vector.broadcast %broadcast_in_dim3A_430 : vector<32x1xf32> to vector<32x640xf32>
        %gt3A_439 = arith.cmpf ogt, %slice3A_350, %gt3A_438 : vector<32x640xf32>
        %broadcast_in_dim3A_440 = vector.broadcast %scan3A : f32 to vector<32x640xf32>
        %select_n3A_441 = arith.select %gt3A_439, %slice3A_350, %broadcast_in_dim3A_440 : vector<32x640xi1>, vector<32x640xf32>
        %reduce_min3A_442 = arith.constant dense<0x7F800000> : vector<32xf32>
        %reduce_min3A_443 = vector.multi_reduction <minimumf>, %select_n3A_441, %reduce_min3A_442 [1] : vector<32x640xf32> to vector<32xf32>
        %broadcast_in_dim3A_444 = vector.shape_cast %reduce_min3A_443 : vector<32xf32> to vector<32x1xf32>
        %eq3A_445 = vector.broadcast %broadcast_in_dim3A_444 : vector<32x1xf32> to vector<32x640xf32>
        %eq3A_446 = arith.cmpf oeq, %select_n3A_441, %eq3A_445 : vector<32x640xf32>
        %broadcast_in_dim3A_447 = vector.broadcast %scan3A_10 : f32 to vector<32x640xf32>
        %select_n3A_448 = arith.select %eq3A_446, %slice3A_351, %broadcast_in_dim3A_447 : vector<32x640xi1>, vector<32x640xf32>
        %reduce_min3A_449 = arith.constant dense<0x7F800000> : vector<32xf32>
        %reduce_min3A_450 = vector.multi_reduction <minimumf>, %select_n3A_448, %reduce_min3A_449 [1] : vector<32x640xf32> to vector<32xf32>
        %broadcast_in_dim3A_451 = vector.shape_cast %reduce_min3A_450 : vector<32xf32> to vector<32x1xf32>
        %gt3A_452 = vector.broadcast %broadcast_in_dim3A_444 : vector<32x1xf32> to vector<32x640xf32>
        %gt3A_453 = arith.cmpf ogt, %slice3A_350, %gt3A_452 : vector<32x640xf32>
        %broadcast_in_dim3A_454 = vector.broadcast %scan3A : f32 to vector<32x640xf32>
        %select_n3A_455 = arith.select %gt3A_453, %slice3A_350, %broadcast_in_dim3A_454 : vector<32x640xi1>, vector<32x640xf32>
        %reduce_min3A_456 = arith.constant dense<0x7F800000> : vector<32xf32>
        %reduce_min3A_457 = vector.multi_reduction <minimumf>, %select_n3A_455, %reduce_min3A_456 [1] : vector<32x640xf32> to vector<32xf32>
        %broadcast_in_dim3A_458 = vector.shape_cast %reduce_min3A_457 : vector<32xf32> to vector<32x1xf32>
        %eq3A_459 = vector.broadcast %broadcast_in_dim3A_458 : vector<32x1xf32> to vector<32x640xf32>
        %eq3A_460 = arith.cmpf oeq, %select_n3A_455, %eq3A_459 : vector<32x640xf32>
        %broadcast_in_dim3A_461 = vector.broadcast %scan3A_10 : f32 to vector<32x640xf32>
        %select_n3A_462 = arith.select %eq3A_460, %slice3A_351, %broadcast_in_dim3A_461 : vector<32x640xi1>, vector<32x640xf32>
        %reduce_min3A_463 = arith.constant dense<0x7F800000> : vector<32xf32>
        %reduce_min3A_464 = vector.multi_reduction <minimumf>, %select_n3A_462, %reduce_min3A_463 [1] : vector<32x640xf32> to vector<32xf32>
        %broadcast_in_dim3A_465 = vector.shape_cast %reduce_min3A_464 : vector<32xf32> to vector<32x1xf32>
        %gt3A_466 = vector.broadcast %broadcast_in_dim3A_458 : vector<32x1xf32> to vector<32x640xf32>
        %gt3A_467 = arith.cmpf ogt, %slice3A_350, %gt3A_466 : vector<32x640xf32>
        %broadcast_in_dim3A_468 = vector.broadcast %scan3A : f32 to vector<32x640xf32>
        %select_n3A_469 = arith.select %gt3A_467, %slice3A_350, %broadcast_in_dim3A_468 : vector<32x640xi1>, vector<32x640xf32>
        %reduce_min3A_470 = arith.constant dense<0x7F800000> : vector<32xf32>
        %reduce_min3A_471 = vector.multi_reduction <minimumf>, %select_n3A_469, %reduce_min3A_470 [1] : vector<32x640xf32> to vector<32xf32>
        %broadcast_in_dim3A_472 = vector.shape_cast %reduce_min3A_471 : vector<32xf32> to vector<32x1xf32>
        %eq3A_473 = vector.broadcast %broadcast_in_dim3A_472 : vector<32x1xf32> to vector<32x640xf32>
        %eq3A_474 = arith.cmpf oeq, %select_n3A_469, %eq3A_473 : vector<32x640xf32>
        %broadcast_in_dim3A_475 = vector.broadcast %scan3A_10 : f32 to vector<32x640xf32>
        %select_n3A_476 = arith.select %eq3A_474, %slice3A_351, %broadcast_in_dim3A_475 : vector<32x640xi1>, vector<32x640xf32>
        %reduce_min3A_477 = arith.constant dense<0x7F800000> : vector<32xf32>
        %reduce_min3A_478 = vector.multi_reduction <minimumf>, %select_n3A_476, %reduce_min3A_477 [1] : vector<32x640xf32> to vector<32xf32>
        %broadcast_in_dim3A_479 = vector.shape_cast %reduce_min3A_478 : vector<32xf32> to vector<32x1xf32>
        %gt3A_480 = vector.broadcast %broadcast_in_dim3A_472 : vector<32x1xf32> to vector<32x640xf32>
        %gt3A_481 = arith.cmpf ogt, %slice3A_350, %gt3A_480 : vector<32x640xf32>
        %broadcast_in_dim3A_482 = vector.broadcast %scan3A : f32 to vector<32x640xf32>
        %select_n3A_483 = arith.select %gt3A_481, %slice3A_350, %broadcast_in_dim3A_482 : vector<32x640xi1>, vector<32x640xf32>
        %reduce_min3A_484 = arith.constant dense<0x7F800000> : vector<32xf32>
        %reduce_min3A_485 = vector.multi_reduction <minimumf>, %select_n3A_483, %reduce_min3A_484 [1] : vector<32x640xf32> to vector<32xf32>
        %broadcast_in_dim3A_486 = vector.shape_cast %reduce_min3A_485 : vector<32xf32> to vector<32x1xf32>
        %eq3A_487 = vector.broadcast %broadcast_in_dim3A_486 : vector<32x1xf32> to vector<32x640xf32>
        %eq3A_488 = arith.cmpf oeq, %select_n3A_483, %eq3A_487 : vector<32x640xf32>
        %broadcast_in_dim3A_489 = vector.broadcast %scan3A_10 : f32 to vector<32x640xf32>
        %select_n3A_490 = arith.select %eq3A_488, %slice3A_351, %broadcast_in_dim3A_489 : vector<32x640xi1>, vector<32x640xf32>
        %reduce_min3A_491 = arith.constant dense<0x7F800000> : vector<32xf32>
        %reduce_min3A_492 = vector.multi_reduction <minimumf>, %select_n3A_490, %reduce_min3A_491 [1] : vector<32x640xf32> to vector<32xf32>
        %broadcast_in_dim3A_493 = vector.shape_cast %reduce_min3A_492 : vector<32xf32> to vector<32x1xf32>
        %gt3A_494 = vector.broadcast %broadcast_in_dim3A_486 : vector<32x1xf32> to vector<32x640xf32>
        %gt3A_495 = arith.cmpf ogt, %slice3A_350, %gt3A_494 : vector<32x640xf32>
        %broadcast_in_dim3A_496 = vector.broadcast %scan3A : f32 to vector<32x640xf32>
        %select_n3A_497 = arith.select %gt3A_495, %slice3A_350, %broadcast_in_dim3A_496 : vector<32x640xi1>, vector<32x640xf32>
        %reduce_min3A_498 = arith.constant dense<0x7F800000> : vector<32xf32>
        %reduce_min3A_499 = vector.multi_reduction <minimumf>, %select_n3A_497, %reduce_min3A_498 [1] : vector<32x640xf32> to vector<32xf32>
        %broadcast_in_dim3A_500 = vector.shape_cast %reduce_min3A_499 : vector<32xf32> to vector<32x1xf32>
        %eq3A_501 = vector.broadcast %broadcast_in_dim3A_500 : vector<32x1xf32> to vector<32x640xf32>
        %eq3A_502 = arith.cmpf oeq, %select_n3A_497, %eq3A_501 : vector<32x640xf32>
        %broadcast_in_dim3A_503 = vector.broadcast %scan3A_10 : f32 to vector<32x640xf32>
        %select_n3A_504 = arith.select %eq3A_502, %slice3A_351, %broadcast_in_dim3A_503 : vector<32x640xi1>, vector<32x640xf32>
        %reduce_min3A_505 = arith.constant dense<0x7F800000> : vector<32xf32>
        %reduce_min3A_506 = vector.multi_reduction <minimumf>, %select_n3A_504, %reduce_min3A_505 [1] : vector<32x640xf32> to vector<32xf32>
        %broadcast_in_dim3A_507 = vector.shape_cast %reduce_min3A_506 : vector<32xf32> to vector<32x1xf32>
        %gt3A_508 = vector.broadcast %broadcast_in_dim3A_500 : vector<32x1xf32> to vector<32x640xf32>
        %gt3A_509 = arith.cmpf ogt, %slice3A_350, %gt3A_508 : vector<32x640xf32>
        %broadcast_in_dim3A_510 = vector.broadcast %scan3A : f32 to vector<32x640xf32>
        %select_n3A_511 = arith.select %gt3A_509, %slice3A_350, %broadcast_in_dim3A_510 : vector<32x640xi1>, vector<32x640xf32>
        %reduce_min3A_512 = arith.constant dense<0x7F800000> : vector<32xf32>
        %reduce_min3A_513 = vector.multi_reduction <minimumf>, %select_n3A_511, %reduce_min3A_512 [1] : vector<32x640xf32> to vector<32xf32>
        %broadcast_in_dim3A_514 = vector.shape_cast %reduce_min3A_513 : vector<32xf32> to vector<32x1xf32>
        %eq3A_515 = vector.broadcast %broadcast_in_dim3A_514 : vector<32x1xf32> to vector<32x640xf32>
        %eq3A_516 = arith.cmpf oeq, %select_n3A_511, %eq3A_515 : vector<32x640xf32>
        %broadcast_in_dim3A_517 = vector.broadcast %scan3A_10 : f32 to vector<32x640xf32>
        %select_n3A_518 = arith.select %eq3A_516, %slice3A_351, %broadcast_in_dim3A_517 : vector<32x640xi1>, vector<32x640xf32>
        %reduce_min3A_519 = arith.constant dense<0x7F800000> : vector<32xf32>
        %reduce_min3A_520 = vector.multi_reduction <minimumf>, %select_n3A_518, %reduce_min3A_519 [1] : vector<32x640xf32> to vector<32xf32>
        %broadcast_in_dim3A_521 = vector.shape_cast %reduce_min3A_520 : vector<32xf32> to vector<32x1xf32>
        %gt3A_522 = vector.broadcast %broadcast_in_dim3A_514 : vector<32x1xf32> to vector<32x640xf32>
        %gt3A_523 = arith.cmpf ogt, %slice3A_350, %gt3A_522 : vector<32x640xf32>
        %broadcast_in_dim3A_524 = vector.broadcast %scan3A : f32 to vector<32x640xf32>
        %select_n3A_525 = arith.select %gt3A_523, %slice3A_350, %broadcast_in_dim3A_524 : vector<32x640xi1>, vector<32x640xf32>
        %reduce_min3A_526 = arith.constant dense<0x7F800000> : vector<32xf32>
        %reduce_min3A_527 = vector.multi_reduction <minimumf>, %select_n3A_525, %reduce_min3A_526 [1] : vector<32x640xf32> to vector<32xf32>
        %broadcast_in_dim3A_528 = vector.shape_cast %reduce_min3A_527 : vector<32xf32> to vector<32x1xf32>
        %eq3A_529 = vector.broadcast %broadcast_in_dim3A_528 : vector<32x1xf32> to vector<32x640xf32>
        %eq3A_530 = arith.cmpf oeq, %select_n3A_525, %eq3A_529 : vector<32x640xf32>
        %broadcast_in_dim3A_531 = vector.broadcast %scan3A_10 : f32 to vector<32x640xf32>
        %select_n3A_532 = arith.select %eq3A_530, %slice3A_351, %broadcast_in_dim3A_531 : vector<32x640xi1>, vector<32x640xf32>
        %reduce_min3A_533 = arith.constant dense<0x7F800000> : vector<32xf32>
        %reduce_min3A_534 = vector.multi_reduction <minimumf>, %select_n3A_532, %reduce_min3A_533 [1] : vector<32x640xf32> to vector<32xf32>
        %broadcast_in_dim3A_535 = vector.shape_cast %reduce_min3A_534 : vector<32xf32> to vector<32x1xf32>
        %gt3A_536 = vector.broadcast %broadcast_in_dim3A_528 : vector<32x1xf32> to vector<32x640xf32>
        %gt3A_537 = arith.cmpf ogt, %slice3A_350, %gt3A_536 : vector<32x640xf32>
        %broadcast_in_dim3A_538 = vector.broadcast %scan3A : f32 to vector<32x640xf32>
        %select_n3A_539 = arith.select %gt3A_537, %slice3A_350, %broadcast_in_dim3A_538 : vector<32x640xi1>, vector<32x640xf32>
        %reduce_min3A_540 = arith.constant dense<0x7F800000> : vector<32xf32>
        %reduce_min3A_541 = vector.multi_reduction <minimumf>, %select_n3A_539, %reduce_min3A_540 [1] : vector<32x640xf32> to vector<32xf32>
        %broadcast_in_dim3A_542 = vector.shape_cast %reduce_min3A_541 : vector<32xf32> to vector<32x1xf32>
        %eq3A_543 = vector.broadcast %broadcast_in_dim3A_542 : vector<32x1xf32> to vector<32x640xf32>
        %eq3A_544 = arith.cmpf oeq, %select_n3A_539, %eq3A_543 : vector<32x640xf32>
        %broadcast_in_dim3A_545 = vector.broadcast %scan3A_10 : f32 to vector<32x640xf32>
        %select_n3A_546 = arith.select %eq3A_544, %slice3A_351, %broadcast_in_dim3A_545 : vector<32x640xi1>, vector<32x640xf32>
        %reduce_min3A_547 = arith.constant dense<0x7F800000> : vector<32xf32>
        %reduce_min3A_548 = vector.multi_reduction <minimumf>, %select_n3A_546, %reduce_min3A_547 [1] : vector<32x640xf32> to vector<32xf32>
        %broadcast_in_dim3A_549 = vector.shape_cast %reduce_min3A_548 : vector<32xf32> to vector<32x1xf32>
        %gt3A_550 = vector.broadcast %broadcast_in_dim3A_542 : vector<32x1xf32> to vector<32x640xf32>
        %gt3A_551 = arith.cmpf ogt, %slice3A_350, %gt3A_550 : vector<32x640xf32>
        %broadcast_in_dim3A_552 = vector.broadcast %scan3A : f32 to vector<32x640xf32>
        %select_n3A_553 = arith.select %gt3A_551, %slice3A_350, %broadcast_in_dim3A_552 : vector<32x640xi1>, vector<32x640xf32>
        %reduce_min3A_554 = arith.constant dense<0x7F800000> : vector<32xf32>
        %reduce_min3A_555 = vector.multi_reduction <minimumf>, %select_n3A_553, %reduce_min3A_554 [1] : vector<32x640xf32> to vector<32xf32>
        %broadcast_in_dim3A_556 = vector.shape_cast %reduce_min3A_555 : vector<32xf32> to vector<32x1xf32>
        %eq3A_557 = vector.broadcast %broadcast_in_dim3A_556 : vector<32x1xf32> to vector<32x640xf32>
        %eq3A_558 = arith.cmpf oeq, %select_n3A_553, %eq3A_557 : vector<32x640xf32>
        %broadcast_in_dim3A_559 = vector.broadcast %scan3A_10 : f32 to vector<32x640xf32>
        %select_n3A_560 = arith.select %eq3A_558, %slice3A_351, %broadcast_in_dim3A_559 : vector<32x640xi1>, vector<32x640xf32>
        %reduce_min3A_561 = arith.constant dense<0x7F800000> : vector<32xf32>
        %reduce_min3A_562 = vector.multi_reduction <minimumf>, %select_n3A_560, %reduce_min3A_561 [1] : vector<32x640xf32> to vector<32xf32>
        %broadcast_in_dim3A_563 = vector.shape_cast %reduce_min3A_562 : vector<32xf32> to vector<32x1xf32>
        %gt3A_564 = vector.broadcast %broadcast_in_dim3A_556 : vector<32x1xf32> to vector<32x640xf32>
        %gt3A_565 = arith.cmpf ogt, %slice3A_350, %gt3A_564 : vector<32x640xf32>
        %broadcast_in_dim3A_566 = vector.broadcast %scan3A : f32 to vector<32x640xf32>
        %select_n3A_567 = arith.select %gt3A_565, %slice3A_350, %broadcast_in_dim3A_566 : vector<32x640xi1>, vector<32x640xf32>
        %reduce_min3A_568 = arith.constant dense<0x7F800000> : vector<32xf32>
        %reduce_min3A_569 = vector.multi_reduction <minimumf>, %select_n3A_567, %reduce_min3A_568 [1] : vector<32x640xf32> to vector<32xf32>
        %broadcast_in_dim3A_570 = vector.shape_cast %reduce_min3A_569 : vector<32xf32> to vector<32x1xf32>
        %eq3A_571 = vector.broadcast %broadcast_in_dim3A_570 : vector<32x1xf32> to vector<32x640xf32>
        %eq3A_572 = arith.cmpf oeq, %select_n3A_567, %eq3A_571 : vector<32x640xf32>
        %broadcast_in_dim3A_573 = vector.broadcast %scan3A_10 : f32 to vector<32x640xf32>
        %select_n3A_574 = arith.select %eq3A_572, %slice3A_351, %broadcast_in_dim3A_573 : vector<32x640xi1>, vector<32x640xf32>
        %reduce_min3A_575 = arith.constant dense<0x7F800000> : vector<32xf32>
        %reduce_min3A_576 = vector.multi_reduction <minimumf>, %select_n3A_574, %reduce_min3A_575 [1] : vector<32x640xf32> to vector<32xf32>
        %broadcast_in_dim3A_577 = vector.shape_cast %reduce_min3A_576 : vector<32xf32> to vector<32x1xf32>
        %gt3A_578 = vector.broadcast %broadcast_in_dim3A_570 : vector<32x1xf32> to vector<32x640xf32>
        %gt3A_579 = arith.cmpf ogt, %slice3A_350, %gt3A_578 : vector<32x640xf32>
        %broadcast_in_dim3A_580 = vector.broadcast %scan3A : f32 to vector<32x640xf32>
        %select_n3A_581 = arith.select %gt3A_579, %slice3A_350, %broadcast_in_dim3A_580 : vector<32x640xi1>, vector<32x640xf32>
        %reduce_min3A_582 = arith.constant dense<0x7F800000> : vector<32xf32>
        %reduce_min3A_583 = vector.multi_reduction <minimumf>, %select_n3A_581, %reduce_min3A_582 [1] : vector<32x640xf32> to vector<32xf32>
        %broadcast_in_dim3A_584 = vector.shape_cast %reduce_min3A_583 : vector<32xf32> to vector<32x1xf32>
        %eq3A_585 = vector.broadcast %broadcast_in_dim3A_584 : vector<32x1xf32> to vector<32x640xf32>
        %eq3A_586 = arith.cmpf oeq, %select_n3A_581, %eq3A_585 : vector<32x640xf32>
        %broadcast_in_dim3A_587 = vector.broadcast %scan3A_10 : f32 to vector<32x640xf32>
        %select_n3A_588 = arith.select %eq3A_586, %slice3A_351, %broadcast_in_dim3A_587 : vector<32x640xi1>, vector<32x640xf32>
        %reduce_min3A_589 = arith.constant dense<0x7F800000> : vector<32xf32>
        %reduce_min3A_590 = vector.multi_reduction <minimumf>, %select_n3A_588, %reduce_min3A_589 [1] : vector<32x640xf32> to vector<32xf32>
        %broadcast_in_dim3A_591 = vector.shape_cast %reduce_min3A_590 : vector<32xf32> to vector<32x1xf32>
        %gt3A_592 = vector.broadcast %broadcast_in_dim3A_584 : vector<32x1xf32> to vector<32x640xf32>
        %gt3A_593 = arith.cmpf ogt, %slice3A_350, %gt3A_592 : vector<32x640xf32>
        %broadcast_in_dim3A_594 = vector.broadcast %scan3A : f32 to vector<32x640xf32>
        %select_n3A_595 = arith.select %gt3A_593, %slice3A_350, %broadcast_in_dim3A_594 : vector<32x640xi1>, vector<32x640xf32>
        %reduce_min3A_596 = arith.constant dense<0x7F800000> : vector<32xf32>
        %reduce_min3A_597 = vector.multi_reduction <minimumf>, %select_n3A_595, %reduce_min3A_596 [1] : vector<32x640xf32> to vector<32xf32>
        %broadcast_in_dim3A_598 = vector.shape_cast %reduce_min3A_597 : vector<32xf32> to vector<32x1xf32>
        %eq3A_599 = vector.broadcast %broadcast_in_dim3A_598 : vector<32x1xf32> to vector<32x640xf32>
        %eq3A_600 = arith.cmpf oeq, %select_n3A_595, %eq3A_599 : vector<32x640xf32>
        %broadcast_in_dim3A_601 = vector.broadcast %scan3A_10 : f32 to vector<32x640xf32>
        %select_n3A_602 = arith.select %eq3A_600, %slice3A_351, %broadcast_in_dim3A_601 : vector<32x640xi1>, vector<32x640xf32>
        %reduce_min3A_603 = arith.constant dense<0x7F800000> : vector<32xf32>
        %reduce_min3A_604 = vector.multi_reduction <minimumf>, %select_n3A_602, %reduce_min3A_603 [1] : vector<32x640xf32> to vector<32xf32>
        %broadcast_in_dim3A_605 = vector.shape_cast %reduce_min3A_604 : vector<32xf32> to vector<32x1xf32>
        %gt3A_606 = vector.broadcast %broadcast_in_dim3A_598 : vector<32x1xf32> to vector<32x640xf32>
        %gt3A_607 = arith.cmpf ogt, %slice3A_350, %gt3A_606 : vector<32x640xf32>
        %broadcast_in_dim3A_608 = vector.broadcast %scan3A : f32 to vector<32x640xf32>
        %select_n3A_609 = arith.select %gt3A_607, %slice3A_350, %broadcast_in_dim3A_608 : vector<32x640xi1>, vector<32x640xf32>
        %reduce_min3A_610 = arith.constant dense<0x7F800000> : vector<32xf32>
        %reduce_min3A_611 = vector.multi_reduction <minimumf>, %select_n3A_609, %reduce_min3A_610 [1] : vector<32x640xf32> to vector<32xf32>
        %broadcast_in_dim3A_612 = vector.shape_cast %reduce_min3A_611 : vector<32xf32> to vector<32x1xf32>
        %eq3A_613 = vector.broadcast %broadcast_in_dim3A_612 : vector<32x1xf32> to vector<32x640xf32>
        %eq3A_614 = arith.cmpf oeq, %select_n3A_609, %eq3A_613 : vector<32x640xf32>
        %broadcast_in_dim3A_615 = vector.broadcast %scan3A_10 : f32 to vector<32x640xf32>
        %select_n3A_616 = arith.select %eq3A_614, %slice3A_351, %broadcast_in_dim3A_615 : vector<32x640xi1>, vector<32x640xf32>
        %reduce_min3A_617 = arith.constant dense<0x7F800000> : vector<32xf32>
        %reduce_min3A_618 = vector.multi_reduction <minimumf>, %select_n3A_616, %reduce_min3A_617 [1] : vector<32x640xf32> to vector<32xf32>
        %broadcast_in_dim3A_619 = vector.shape_cast %reduce_min3A_618 : vector<32xf32> to vector<32x1xf32>
        %gt3A_620 = vector.broadcast %broadcast_in_dim3A_612 : vector<32x1xf32> to vector<32x640xf32>
        %gt3A_621 = arith.cmpf ogt, %slice3A_350, %gt3A_620 : vector<32x640xf32>
        %broadcast_in_dim3A_622 = vector.broadcast %scan3A : f32 to vector<32x640xf32>
        %select_n3A_623 = arith.select %gt3A_621, %slice3A_350, %broadcast_in_dim3A_622 : vector<32x640xi1>, vector<32x640xf32>
        %reduce_min3A_624 = arith.constant dense<0x7F800000> : vector<32xf32>
        %reduce_min3A_625 = vector.multi_reduction <minimumf>, %select_n3A_623, %reduce_min3A_624 [1] : vector<32x640xf32> to vector<32xf32>
        %broadcast_in_dim3A_626 = vector.shape_cast %reduce_min3A_625 : vector<32xf32> to vector<32x1xf32>
        %eq3A_627 = vector.broadcast %broadcast_in_dim3A_626 : vector<32x1xf32> to vector<32x640xf32>
        %eq3A_628 = arith.cmpf oeq, %select_n3A_623, %eq3A_627 : vector<32x640xf32>
        %broadcast_in_dim3A_629 = vector.broadcast %scan3A_10 : f32 to vector<32x640xf32>
        %select_n3A_630 = arith.select %eq3A_628, %slice3A_351, %broadcast_in_dim3A_629 : vector<32x640xi1>, vector<32x640xf32>
        %reduce_min3A_631 = arith.constant dense<0x7F800000> : vector<32xf32>
        %reduce_min3A_632 = vector.multi_reduction <minimumf>, %select_n3A_630, %reduce_min3A_631 [1] : vector<32x640xf32> to vector<32xf32>
        %broadcast_in_dim3A_633 = vector.shape_cast %reduce_min3A_632 : vector<32xf32> to vector<32x1xf32>
        %broadcast_in_dim3A_634 = vector.broadcast %scan3A : f32 to vector<32x108xf32>
        %broadcast_in_dim3A_635 = vector.broadcast %scan3A_10 : f32 to vector<32x108xf32>
        %concatenate3A_636 = tpu.concatenate %broadcast_in_dim3A_360, %broadcast_in_dim3A_374, %broadcast_in_dim3A_388, %broadcast_in_dim3A_402, %broadcast_in_dim3A_416, %broadcast_in_dim3A_430, %broadcast_in_dim3A_444, %broadcast_in_dim3A_458, %broadcast_in_dim3A_472, %broadcast_in_dim3A_486, %broadcast_in_dim3A_500, %broadcast_in_dim3A_514, %broadcast_in_dim3A_528, %broadcast_in_dim3A_542, %broadcast_in_dim3A_556, %broadcast_in_dim3A_570, %broadcast_in_dim3A_584, %broadcast_in_dim3A_598, %broadcast_in_dim3A_612, %broadcast_in_dim3A_626, %broadcast_in_dim3A_634 in 1 : vector<32x1xf32>, vector<32x1xf32>, vector<32x1xf32>, vector<32x1xf32>, vector<32x1xf32>, vector<32x1xf32>, vector<32x1xf32>, vector<32x1xf32>, vector<32x1xf32>, vector<32x1xf32>, vector<32x1xf32>, vector<32x1xf32>, vector<32x1xf32>, vector<32x1xf32>, vector<32x1xf32>, vector<32x1xf32>, vector<32x1xf32>, vector<32x1xf32>, vector<32x1xf32>, vector<32x1xf32>, vector<32x108xf32> -> vector<32x128xf32>
        %concatenate3A_637 = tpu.concatenate %broadcast_in_dim3A_367, %broadcast_in_dim3A_381, %broadcast_in_dim3A_395, %broadcast_in_dim3A_409, %broadcast_in_dim3A_423, %broadcast_in_dim3A_437, %broadcast_in_dim3A_451, %broadcast_in_dim3A_465, %broadcast_in_dim3A_479, %broadcast_in_dim3A_493, %broadcast_in_dim3A_507, %broadcast_in_dim3A_521, %broadcast_in_dim3A_535, %broadcast_in_dim3A_549, %broadcast_in_dim3A_563, %broadcast_in_dim3A_577, %broadcast_in_dim3A_591, %broadcast_in_dim3A_605, %broadcast_in_dim3A_619, %broadcast_in_dim3A_633, %broadcast_in_dim3A_635 in 1 : vector<32x1xf32>, vector<32x1xf32>, vector<32x1xf32>, vector<32x1xf32>, vector<32x1xf32>, vector<32x1xf32>, vector<32x1xf32>, vector<32x1xf32>, vector<32x1xf32>, vector<32x1xf32>, vector<32x1xf32>, vector<32x1xf32>, vector<32x1xf32>, vector<32x1xf32>, vector<32x1xf32>, vector<32x1xf32>, vector<32x1xf32>, vector<32x1xf32>, vector<32x1xf32>, vector<32x1xf32>, vector<32x108xf32> -> vector<32x128xf32>
        %slice3A_638 = vector.extract_strided_slice %concatenate3A {offsets = [64, 0], sizes = [32, 640], strides = [1, 1]} : vector<128x640xf32> to vector<32x640xf32>
        %slice3A_639 = vector.extract_strided_slice %concatenate3A_62 {offsets = [64, 0], sizes = [32, 640], strides = [1, 1]} : vector<128x640xf32> to vector<32x640xf32>
        %broadcast_in_dim3A_640 = arith.constant 0xFF800000 : f32
        %broadcast_in_dim3A_641 = vector.broadcast %broadcast_in_dim3A_640 : f32 to vector<32x1xf32>
        %gt3A_642 = vector.broadcast %broadcast_in_dim3A_641 : vector<32x1xf32> to vector<32x640xf32>
        %gt3A_643 = arith.cmpf ogt, %slice3A_638, %gt3A_642 : vector<32x640xf32>
        %broadcast_in_dim3A_644 = vector.broadcast %scan3A : f32 to vector<32x640xf32>
        %select_n3A_645 = arith.select %gt3A_643, %slice3A_638, %broadcast_in_dim3A_644 : vector<32x640xi1>, vector<32x640xf32>
        %reduce_min3A_646 = arith.constant dense<0x7F800000> : vector<32xf32>
        %reduce_min3A_647 = vector.multi_reduction <minimumf>, %select_n3A_645, %reduce_min3A_646 [1] : vector<32x640xf32> to vector<32xf32>
        %broadcast_in_dim3A_648 = vector.shape_cast %reduce_min3A_647 : vector<32xf32> to vector<32x1xf32>
        %eq3A_649 = vector.broadcast %broadcast_in_dim3A_648 : vector<32x1xf32> to vector<32x640xf32>
        %eq3A_650 = arith.cmpf oeq, %select_n3A_645, %eq3A_649 : vector<32x640xf32>
        %broadcast_in_dim3A_651 = vector.broadcast %scan3A_10 : f32 to vector<32x640xf32>
        %select_n3A_652 = arith.select %eq3A_650, %slice3A_639, %broadcast_in_dim3A_651 : vector<32x640xi1>, vector<32x640xf32>
        %reduce_min3A_653 = arith.constant dense<0x7F800000> : vector<32xf32>
        %reduce_min3A_654 = vector.multi_reduction <minimumf>, %select_n3A_652, %reduce_min3A_653 [1] : vector<32x640xf32> to vector<32xf32>
        %broadcast_in_dim3A_655 = vector.shape_cast %reduce_min3A_654 : vector<32xf32> to vector<32x1xf32>
        %gt3A_656 = vector.broadcast %broadcast_in_dim3A_648 : vector<32x1xf32> to vector<32x640xf32>
        %gt3A_657 = arith.cmpf ogt, %slice3A_638, %gt3A_656 : vector<32x640xf32>
        %broadcast_in_dim3A_658 = vector.broadcast %scan3A : f32 to vector<32x640xf32>
        %select_n3A_659 = arith.select %gt3A_657, %slice3A_638, %broadcast_in_dim3A_658 : vector<32x640xi1>, vector<32x640xf32>
        %reduce_min3A_660 = arith.constant dense<0x7F800000> : vector<32xf32>
        %reduce_min3A_661 = vector.multi_reduction <minimumf>, %select_n3A_659, %reduce_min3A_660 [1] : vector<32x640xf32> to vector<32xf32>
        %broadcast_in_dim3A_662 = vector.shape_cast %reduce_min3A_661 : vector<32xf32> to vector<32x1xf32>
        %eq3A_663 = vector.broadcast %broadcast_in_dim3A_662 : vector<32x1xf32> to vector<32x640xf32>
        %eq3A_664 = arith.cmpf oeq, %select_n3A_659, %eq3A_663 : vector<32x640xf32>
        %broadcast_in_dim3A_665 = vector.broadcast %scan3A_10 : f32 to vector<32x640xf32>
        %select_n3A_666 = arith.select %eq3A_664, %slice3A_639, %broadcast_in_dim3A_665 : vector<32x640xi1>, vector<32x640xf32>
        %reduce_min3A_667 = arith.constant dense<0x7F800000> : vector<32xf32>
        %reduce_min3A_668 = vector.multi_reduction <minimumf>, %select_n3A_666, %reduce_min3A_667 [1] : vector<32x640xf32> to vector<32xf32>
        %broadcast_in_dim3A_669 = vector.shape_cast %reduce_min3A_668 : vector<32xf32> to vector<32x1xf32>
        %gt3A_670 = vector.broadcast %broadcast_in_dim3A_662 : vector<32x1xf32> to vector<32x640xf32>
        %gt3A_671 = arith.cmpf ogt, %slice3A_638, %gt3A_670 : vector<32x640xf32>
        %broadcast_in_dim3A_672 = vector.broadcast %scan3A : f32 to vector<32x640xf32>
        %select_n3A_673 = arith.select %gt3A_671, %slice3A_638, %broadcast_in_dim3A_672 : vector<32x640xi1>, vector<32x640xf32>
        %reduce_min3A_674 = arith.constant dense<0x7F800000> : vector<32xf32>
        %reduce_min3A_675 = vector.multi_reduction <minimumf>, %select_n3A_673, %reduce_min3A_674 [1] : vector<32x640xf32> to vector<32xf32>
        %broadcast_in_dim3A_676 = vector.shape_cast %reduce_min3A_675 : vector<32xf32> to vector<32x1xf32>
        %eq3A_677 = vector.broadcast %broadcast_in_dim3A_676 : vector<32x1xf32> to vector<32x640xf32>
        %eq3A_678 = arith.cmpf oeq, %select_n3A_673, %eq3A_677 : vector<32x640xf32>
        %broadcast_in_dim3A_679 = vector.broadcast %scan3A_10 : f32 to vector<32x640xf32>
        %select_n3A_680 = arith.select %eq3A_678, %slice3A_639, %broadcast_in_dim3A_679 : vector<32x640xi1>, vector<32x640xf32>
        %reduce_min3A_681 = arith.constant dense<0x7F800000> : vector<32xf32>
        %reduce_min3A_682 = vector.multi_reduction <minimumf>, %select_n3A_680, %reduce_min3A_681 [1] : vector<32x640xf32> to vector<32xf32>
        %broadcast_in_dim3A_683 = vector.shape_cast %reduce_min3A_682 : vector<32xf32> to vector<32x1xf32>
        %gt3A_684 = vector.broadcast %broadcast_in_dim3A_676 : vector<32x1xf32> to vector<32x640xf32>
        %gt3A_685 = arith.cmpf ogt, %slice3A_638, %gt3A_684 : vector<32x640xf32>
        %broadcast_in_dim3A_686 = vector.broadcast %scan3A : f32 to vector<32x640xf32>
        %select_n3A_687 = arith.select %gt3A_685, %slice3A_638, %broadcast_in_dim3A_686 : vector<32x640xi1>, vector<32x640xf32>
        %reduce_min3A_688 = arith.constant dense<0x7F800000> : vector<32xf32>
        %reduce_min3A_689 = vector.multi_reduction <minimumf>, %select_n3A_687, %reduce_min3A_688 [1] : vector<32x640xf32> to vector<32xf32>
        %broadcast_in_dim3A_690 = vector.shape_cast %reduce_min3A_689 : vector<32xf32> to vector<32x1xf32>
        %eq3A_691 = vector.broadcast %broadcast_in_dim3A_690 : vector<32x1xf32> to vector<32x640xf32>
        %eq3A_692 = arith.cmpf oeq, %select_n3A_687, %eq3A_691 : vector<32x640xf32>
        %broadcast_in_dim3A_693 = vector.broadcast %scan3A_10 : f32 to vector<32x640xf32>
        %select_n3A_694 = arith.select %eq3A_692, %slice3A_639, %broadcast_in_dim3A_693 : vector<32x640xi1>, vector<32x640xf32>
        %reduce_min3A_695 = arith.constant dense<0x7F800000> : vector<32xf32>
        %reduce_min3A_696 = vector.multi_reduction <minimumf>, %select_n3A_694, %reduce_min3A_695 [1] : vector<32x640xf32> to vector<32xf32>
        %broadcast_in_dim3A_697 = vector.shape_cast %reduce_min3A_696 : vector<32xf32> to vector<32x1xf32>
        %gt3A_698 = vector.broadcast %broadcast_in_dim3A_690 : vector<32x1xf32> to vector<32x640xf32>
        %gt3A_699 = arith.cmpf ogt, %slice3A_638, %gt3A_698 : vector<32x640xf32>
        %broadcast_in_dim3A_700 = vector.broadcast %scan3A : f32 to vector<32x640xf32>
        %select_n3A_701 = arith.select %gt3A_699, %slice3A_638, %broadcast_in_dim3A_700 : vector<32x640xi1>, vector<32x640xf32>
        %reduce_min3A_702 = arith.constant dense<0x7F800000> : vector<32xf32>
        %reduce_min3A_703 = vector.multi_reduction <minimumf>, %select_n3A_701, %reduce_min3A_702 [1] : vector<32x640xf32> to vector<32xf32>
        %broadcast_in_dim3A_704 = vector.shape_cast %reduce_min3A_703 : vector<32xf32> to vector<32x1xf32>
        %eq3A_705 = vector.broadcast %broadcast_in_dim3A_704 : vector<32x1xf32> to vector<32x640xf32>
        %eq3A_706 = arith.cmpf oeq, %select_n3A_701, %eq3A_705 : vector<32x640xf32>
        %broadcast_in_dim3A_707 = vector.broadcast %scan3A_10 : f32 to vector<32x640xf32>
        %select_n3A_708 = arith.select %eq3A_706, %slice3A_639, %broadcast_in_dim3A_707 : vector<32x640xi1>, vector<32x640xf32>
        %reduce_min3A_709 = arith.constant dense<0x7F800000> : vector<32xf32>
        %reduce_min3A_710 = vector.multi_reduction <minimumf>, %select_n3A_708, %reduce_min3A_709 [1] : vector<32x640xf32> to vector<32xf32>
        %broadcast_in_dim3A_711 = vector.shape_cast %reduce_min3A_710 : vector<32xf32> to vector<32x1xf32>
        %gt3A_712 = vector.broadcast %broadcast_in_dim3A_704 : vector<32x1xf32> to vector<32x640xf32>
        %gt3A_713 = arith.cmpf ogt, %slice3A_638, %gt3A_712 : vector<32x640xf32>
        %broadcast_in_dim3A_714 = vector.broadcast %scan3A : f32 to vector<32x640xf32>
        %select_n3A_715 = arith.select %gt3A_713, %slice3A_638, %broadcast_in_dim3A_714 : vector<32x640xi1>, vector<32x640xf32>
        %reduce_min3A_716 = arith.constant dense<0x7F800000> : vector<32xf32>
        %reduce_min3A_717 = vector.multi_reduction <minimumf>, %select_n3A_715, %reduce_min3A_716 [1] : vector<32x640xf32> to vector<32xf32>
        %broadcast_in_dim3A_718 = vector.shape_cast %reduce_min3A_717 : vector<32xf32> to vector<32x1xf32>
        %eq3A_719 = vector.broadcast %broadcast_in_dim3A_718 : vector<32x1xf32> to vector<32x640xf32>
        %eq3A_720 = arith.cmpf oeq, %select_n3A_715, %eq3A_719 : vector<32x640xf32>
        %broadcast_in_dim3A_721 = vector.broadcast %scan3A_10 : f32 to vector<32x640xf32>
        %select_n3A_722 = arith.select %eq3A_720, %slice3A_639, %broadcast_in_dim3A_721 : vector<32x640xi1>, vector<32x640xf32>
        %reduce_min3A_723 = arith.constant dense<0x7F800000> : vector<32xf32>
        %reduce_min3A_724 = vector.multi_reduction <minimumf>, %select_n3A_722, %reduce_min3A_723 [1] : vector<32x640xf32> to vector<32xf32>
        %broadcast_in_dim3A_725 = vector.shape_cast %reduce_min3A_724 : vector<32xf32> to vector<32x1xf32>
        %gt3A_726 = vector.broadcast %broadcast_in_dim3A_718 : vector<32x1xf32> to vector<32x640xf32>
        %gt3A_727 = arith.cmpf ogt, %slice3A_638, %gt3A_726 : vector<32x640xf32>
        %broadcast_in_dim3A_728 = vector.broadcast %scan3A : f32 to vector<32x640xf32>
        %select_n3A_729 = arith.select %gt3A_727, %slice3A_638, %broadcast_in_dim3A_728 : vector<32x640xi1>, vector<32x640xf32>
        %reduce_min3A_730 = arith.constant dense<0x7F800000> : vector<32xf32>
        %reduce_min3A_731 = vector.multi_reduction <minimumf>, %select_n3A_729, %reduce_min3A_730 [1] : vector<32x640xf32> to vector<32xf32>
        %broadcast_in_dim3A_732 = vector.shape_cast %reduce_min3A_731 : vector<32xf32> to vector<32x1xf32>
        %eq3A_733 = vector.broadcast %broadcast_in_dim3A_732 : vector<32x1xf32> to vector<32x640xf32>
        %eq3A_734 = arith.cmpf oeq, %select_n3A_729, %eq3A_733 : vector<32x640xf32>
        %broadcast_in_dim3A_735 = vector.broadcast %scan3A_10 : f32 to vector<32x640xf32>
        %select_n3A_736 = arith.select %eq3A_734, %slice3A_639, %broadcast_in_dim3A_735 : vector<32x640xi1>, vector<32x640xf32>
        %reduce_min3A_737 = arith.constant dense<0x7F800000> : vector<32xf32>
        %reduce_min3A_738 = vector.multi_reduction <minimumf>, %select_n3A_736, %reduce_min3A_737 [1] : vector<32x640xf32> to vector<32xf32>
        %broadcast_in_dim3A_739 = vector.shape_cast %reduce_min3A_738 : vector<32xf32> to vector<32x1xf32>
        %gt3A_740 = vector.broadcast %broadcast_in_dim3A_732 : vector<32x1xf32> to vector<32x640xf32>
        %gt3A_741 = arith.cmpf ogt, %slice3A_638, %gt3A_740 : vector<32x640xf32>
        %broadcast_in_dim3A_742 = vector.broadcast %scan3A : f32 to vector<32x640xf32>
        %select_n3A_743 = arith.select %gt3A_741, %slice3A_638, %broadcast_in_dim3A_742 : vector<32x640xi1>, vector<32x640xf32>
        %reduce_min3A_744 = arith.constant dense<0x7F800000> : vector<32xf32>
        %reduce_min3A_745 = vector.multi_reduction <minimumf>, %select_n3A_743, %reduce_min3A_744 [1] : vector<32x640xf32> to vector<32xf32>
        %broadcast_in_dim3A_746 = vector.shape_cast %reduce_min3A_745 : vector<32xf32> to vector<32x1xf32>
        %eq3A_747 = vector.broadcast %broadcast_in_dim3A_746 : vector<32x1xf32> to vector<32x640xf32>
        %eq3A_748 = arith.cmpf oeq, %select_n3A_743, %eq3A_747 : vector<32x640xf32>
        %broadcast_in_dim3A_749 = vector.broadcast %scan3A_10 : f32 to vector<32x640xf32>
        %select_n3A_750 = arith.select %eq3A_748, %slice3A_639, %broadcast_in_dim3A_749 : vector<32x640xi1>, vector<32x640xf32>
        %reduce_min3A_751 = arith.constant dense<0x7F800000> : vector<32xf32>
        %reduce_min3A_752 = vector.multi_reduction <minimumf>, %select_n3A_750, %reduce_min3A_751 [1] : vector<32x640xf32> to vector<32xf32>
        %broadcast_in_dim3A_753 = vector.shape_cast %reduce_min3A_752 : vector<32xf32> to vector<32x1xf32>
        %gt3A_754 = vector.broadcast %broadcast_in_dim3A_746 : vector<32x1xf32> to vector<32x640xf32>
        %gt3A_755 = arith.cmpf ogt, %slice3A_638, %gt3A_754 : vector<32x640xf32>
        %broadcast_in_dim3A_756 = vector.broadcast %scan3A : f32 to vector<32x640xf32>
        %select_n3A_757 = arith.select %gt3A_755, %slice3A_638, %broadcast_in_dim3A_756 : vector<32x640xi1>, vector<32x640xf32>
        %reduce_min3A_758 = arith.constant dense<0x7F800000> : vector<32xf32>
        %reduce_min3A_759 = vector.multi_reduction <minimumf>, %select_n3A_757, %reduce_min3A_758 [1] : vector<32x640xf32> to vector<32xf32>
        %broadcast_in_dim3A_760 = vector.shape_cast %reduce_min3A_759 : vector<32xf32> to vector<32x1xf32>
        %eq3A_761 = vector.broadcast %broadcast_in_dim3A_760 : vector<32x1xf32> to vector<32x640xf32>
        %eq3A_762 = arith.cmpf oeq, %select_n3A_757, %eq3A_761 : vector<32x640xf32>
        %broadcast_in_dim3A_763 = vector.broadcast %scan3A_10 : f32 to vector<32x640xf32>
        %select_n3A_764 = arith.select %eq3A_762, %slice3A_639, %broadcast_in_dim3A_763 : vector<32x640xi1>, vector<32x640xf32>
        %reduce_min3A_765 = arith.constant dense<0x7F800000> : vector<32xf32>
        %reduce_min3A_766 = vector.multi_reduction <minimumf>, %select_n3A_764, %reduce_min3A_765 [1] : vector<32x640xf32> to vector<32xf32>
        %broadcast_in_dim3A_767 = vector.shape_cast %reduce_min3A_766 : vector<32xf32> to vector<32x1xf32>
        %gt3A_768 = vector.broadcast %broadcast_in_dim3A_760 : vector<32x1xf32> to vector<32x640xf32>
        %gt3A_769 = arith.cmpf ogt, %slice3A_638, %gt3A_768 : vector<32x640xf32>
        %broadcast_in_dim3A_770 = vector.broadcast %scan3A : f32 to vector<32x640xf32>
        %select_n3A_771 = arith.select %gt3A_769, %slice3A_638, %broadcast_in_dim3A_770 : vector<32x640xi1>, vector<32x640xf32>
        %reduce_min3A_772 = arith.constant dense<0x7F800000> : vector<32xf32>
        %reduce_min3A_773 = vector.multi_reduction <minimumf>, %select_n3A_771, %reduce_min3A_772 [1] : vector<32x640xf32> to vector<32xf32>
        %broadcast_in_dim3A_774 = vector.shape_cast %reduce_min3A_773 : vector<32xf32> to vector<32x1xf32>
        %eq3A_775 = vector.broadcast %broadcast_in_dim3A_774 : vector<32x1xf32> to vector<32x640xf32>
        %eq3A_776 = arith.cmpf oeq, %select_n3A_771, %eq3A_775 : vector<32x640xf32>
        %broadcast_in_dim3A_777 = vector.broadcast %scan3A_10 : f32 to vector<32x640xf32>
        %select_n3A_778 = arith.select %eq3A_776, %slice3A_639, %broadcast_in_dim3A_777 : vector<32x640xi1>, vector<32x640xf32>
        %reduce_min3A_779 = arith.constant dense<0x7F800000> : vector<32xf32>
        %reduce_min3A_780 = vector.multi_reduction <minimumf>, %select_n3A_778, %reduce_min3A_779 [1] : vector<32x640xf32> to vector<32xf32>
        %broadcast_in_dim3A_781 = vector.shape_cast %reduce_min3A_780 : vector<32xf32> to vector<32x1xf32>
        %gt3A_782 = vector.broadcast %broadcast_in_dim3A_774 : vector<32x1xf32> to vector<32x640xf32>
        %gt3A_783 = arith.cmpf ogt, %slice3A_638, %gt3A_782 : vector<32x640xf32>
        %broadcast_in_dim3A_784 = vector.broadcast %scan3A : f32 to vector<32x640xf32>
        %select_n3A_785 = arith.select %gt3A_783, %slice3A_638, %broadcast_in_dim3A_784 : vector<32x640xi1>, vector<32x640xf32>
        %reduce_min3A_786 = arith.constant dense<0x7F800000> : vector<32xf32>
        %reduce_min3A_787 = vector.multi_reduction <minimumf>, %select_n3A_785, %reduce_min3A_786 [1] : vector<32x640xf32> to vector<32xf32>
        %broadcast_in_dim3A_788 = vector.shape_cast %reduce_min3A_787 : vector<32xf32> to vector<32x1xf32>
        %eq3A_789 = vector.broadcast %broadcast_in_dim3A_788 : vector<32x1xf32> to vector<32x640xf32>
        %eq3A_790 = arith.cmpf oeq, %select_n3A_785, %eq3A_789 : vector<32x640xf32>
        %broadcast_in_dim3A_791 = vector.broadcast %scan3A_10 : f32 to vector<32x640xf32>
        %select_n3A_792 = arith.select %eq3A_790, %slice3A_639, %broadcast_in_dim3A_791 : vector<32x640xi1>, vector<32x640xf32>
        %reduce_min3A_793 = arith.constant dense<0x7F800000> : vector<32xf32>
        %reduce_min3A_794 = vector.multi_reduction <minimumf>, %select_n3A_792, %reduce_min3A_793 [1] : vector<32x640xf32> to vector<32xf32>
        %broadcast_in_dim3A_795 = vector.shape_cast %reduce_min3A_794 : vector<32xf32> to vector<32x1xf32>
        %gt3A_796 = vector.broadcast %broadcast_in_dim3A_788 : vector<32x1xf32> to vector<32x640xf32>
        %gt3A_797 = arith.cmpf ogt, %slice3A_638, %gt3A_796 : vector<32x640xf32>
        %broadcast_in_dim3A_798 = vector.broadcast %scan3A : f32 to vector<32x640xf32>
        %select_n3A_799 = arith.select %gt3A_797, %slice3A_638, %broadcast_in_dim3A_798 : vector<32x640xi1>, vector<32x640xf32>
        %reduce_min3A_800 = arith.constant dense<0x7F800000> : vector<32xf32>
        %reduce_min3A_801 = vector.multi_reduction <minimumf>, %select_n3A_799, %reduce_min3A_800 [1] : vector<32x640xf32> to vector<32xf32>
        %broadcast_in_dim3A_802 = vector.shape_cast %reduce_min3A_801 : vector<32xf32> to vector<32x1xf32>
        %eq3A_803 = vector.broadcast %broadcast_in_dim3A_802 : vector<32x1xf32> to vector<32x640xf32>
        %eq3A_804 = arith.cmpf oeq, %select_n3A_799, %eq3A_803 : vector<32x640xf32>
        %broadcast_in_dim3A_805 = vector.broadcast %scan3A_10 : f32 to vector<32x640xf32>
        %select_n3A_806 = arith.select %eq3A_804, %slice3A_639, %broadcast_in_dim3A_805 : vector<32x640xi1>, vector<32x640xf32>
        %reduce_min3A_807 = arith.constant dense<0x7F800000> : vector<32xf32>
        %reduce_min3A_808 = vector.multi_reduction <minimumf>, %select_n3A_806, %reduce_min3A_807 [1] : vector<32x640xf32> to vector<32xf32>
        %broadcast_in_dim3A_809 = vector.shape_cast %reduce_min3A_808 : vector<32xf32> to vector<32x1xf32>
        %gt3A_810 = vector.broadcast %broadcast_in_dim3A_802 : vector<32x1xf32> to vector<32x640xf32>
        %gt3A_811 = arith.cmpf ogt, %slice3A_638, %gt3A_810 : vector<32x640xf32>
        %broadcast_in_dim3A_812 = vector.broadcast %scan3A : f32 to vector<32x640xf32>
        %select_n3A_813 = arith.select %gt3A_811, %slice3A_638, %broadcast_in_dim3A_812 : vector<32x640xi1>, vector<32x640xf32>
        %reduce_min3A_814 = arith.constant dense<0x7F800000> : vector<32xf32>
        %reduce_min3A_815 = vector.multi_reduction <minimumf>, %select_n3A_813, %reduce_min3A_814 [1] : vector<32x640xf32> to vector<32xf32>
        %broadcast_in_dim3A_816 = vector.shape_cast %reduce_min3A_815 : vector<32xf32> to vector<32x1xf32>
        %eq3A_817 = vector.broadcast %broadcast_in_dim3A_816 : vector<32x1xf32> to vector<32x640xf32>
        %eq3A_818 = arith.cmpf oeq, %select_n3A_813, %eq3A_817 : vector<32x640xf32>
        %broadcast_in_dim3A_819 = vector.broadcast %scan3A_10 : f32 to vector<32x640xf32>
        %select_n3A_820 = arith.select %eq3A_818, %slice3A_639, %broadcast_in_dim3A_819 : vector<32x640xi1>, vector<32x640xf32>
        %reduce_min3A_821 = arith.constant dense<0x7F800000> : vector<32xf32>
        %reduce_min3A_822 = vector.multi_reduction <minimumf>, %select_n3A_820, %reduce_min3A_821 [1] : vector<32x640xf32> to vector<32xf32>
        %broadcast_in_dim3A_823 = vector.shape_cast %reduce_min3A_822 : vector<32xf32> to vector<32x1xf32>
        %gt3A_824 = vector.broadcast %broadcast_in_dim3A_816 : vector<32x1xf32> to vector<32x640xf32>
        %gt3A_825 = arith.cmpf ogt, %slice3A_638, %gt3A_824 : vector<32x640xf32>
        %broadcast_in_dim3A_826 = vector.broadcast %scan3A : f32 to vector<32x640xf32>
        %select_n3A_827 = arith.select %gt3A_825, %slice3A_638, %broadcast_in_dim3A_826 : vector<32x640xi1>, vector<32x640xf32>
        %reduce_min3A_828 = arith.constant dense<0x7F800000> : vector<32xf32>
        %reduce_min3A_829 = vector.multi_reduction <minimumf>, %select_n3A_827, %reduce_min3A_828 [1] : vector<32x640xf32> to vector<32xf32>
        %broadcast_in_dim3A_830 = vector.shape_cast %reduce_min3A_829 : vector<32xf32> to vector<32x1xf32>
        %eq3A_831 = vector.broadcast %broadcast_in_dim3A_830 : vector<32x1xf32> to vector<32x640xf32>
        %eq3A_832 = arith.cmpf oeq, %select_n3A_827, %eq3A_831 : vector<32x640xf32>
        %broadcast_in_dim3A_833 = vector.broadcast %scan3A_10 : f32 to vector<32x640xf32>
        %select_n3A_834 = arith.select %eq3A_832, %slice3A_639, %broadcast_in_dim3A_833 : vector<32x640xi1>, vector<32x640xf32>
        %reduce_min3A_835 = arith.constant dense<0x7F800000> : vector<32xf32>
        %reduce_min3A_836 = vector.multi_reduction <minimumf>, %select_n3A_834, %reduce_min3A_835 [1] : vector<32x640xf32> to vector<32xf32>
        %broadcast_in_dim3A_837 = vector.shape_cast %reduce_min3A_836 : vector<32xf32> to vector<32x1xf32>
        %gt3A_838 = vector.broadcast %broadcast_in_dim3A_830 : vector<32x1xf32> to vector<32x640xf32>
        %gt3A_839 = arith.cmpf ogt, %slice3A_638, %gt3A_838 : vector<32x640xf32>
        %broadcast_in_dim3A_840 = vector.broadcast %scan3A : f32 to vector<32x640xf32>
        %select_n3A_841 = arith.select %gt3A_839, %slice3A_638, %broadcast_in_dim3A_840 : vector<32x640xi1>, vector<32x640xf32>
        %reduce_min3A_842 = arith.constant dense<0x7F800000> : vector<32xf32>
        %reduce_min3A_843 = vector.multi_reduction <minimumf>, %select_n3A_841, %reduce_min3A_842 [1] : vector<32x640xf32> to vector<32xf32>
        %broadcast_in_dim3A_844 = vector.shape_cast %reduce_min3A_843 : vector<32xf32> to vector<32x1xf32>
        %eq3A_845 = vector.broadcast %broadcast_in_dim3A_844 : vector<32x1xf32> to vector<32x640xf32>
        %eq3A_846 = arith.cmpf oeq, %select_n3A_841, %eq3A_845 : vector<32x640xf32>
        %broadcast_in_dim3A_847 = vector.broadcast %scan3A_10 : f32 to vector<32x640xf32>
        %select_n3A_848 = arith.select %eq3A_846, %slice3A_639, %broadcast_in_dim3A_847 : vector<32x640xi1>, vector<32x640xf32>
        %reduce_min3A_849 = arith.constant dense<0x7F800000> : vector<32xf32>
        %reduce_min3A_850 = vector.multi_reduction <minimumf>, %select_n3A_848, %reduce_min3A_849 [1] : vector<32x640xf32> to vector<32xf32>
        %broadcast_in_dim3A_851 = vector.shape_cast %reduce_min3A_850 : vector<32xf32> to vector<32x1xf32>
        %gt3A_852 = vector.broadcast %broadcast_in_dim3A_844 : vector<32x1xf32> to vector<32x640xf32>
        %gt3A_853 = arith.cmpf ogt, %slice3A_638, %gt3A_852 : vector<32x640xf32>
        %broadcast_in_dim3A_854 = vector.broadcast %scan3A : f32 to vector<32x640xf32>
        %select_n3A_855 = arith.select %gt3A_853, %slice3A_638, %broadcast_in_dim3A_854 : vector<32x640xi1>, vector<32x640xf32>
        %reduce_min3A_856 = arith.constant dense<0x7F800000> : vector<32xf32>
        %reduce_min3A_857 = vector.multi_reduction <minimumf>, %select_n3A_855, %reduce_min3A_856 [1] : vector<32x640xf32> to vector<32xf32>
        %broadcast_in_dim3A_858 = vector.shape_cast %reduce_min3A_857 : vector<32xf32> to vector<32x1xf32>
        %eq3A_859 = vector.broadcast %broadcast_in_dim3A_858 : vector<32x1xf32> to vector<32x640xf32>
        %eq3A_860 = arith.cmpf oeq, %select_n3A_855, %eq3A_859 : vector<32x640xf32>
        %broadcast_in_dim3A_861 = vector.broadcast %scan3A_10 : f32 to vector<32x640xf32>
        %select_n3A_862 = arith.select %eq3A_860, %slice3A_639, %broadcast_in_dim3A_861 : vector<32x640xi1>, vector<32x640xf32>
        %reduce_min3A_863 = arith.constant dense<0x7F800000> : vector<32xf32>
        %reduce_min3A_864 = vector.multi_reduction <minimumf>, %select_n3A_862, %reduce_min3A_863 [1] : vector<32x640xf32> to vector<32xf32>
        %broadcast_in_dim3A_865 = vector.shape_cast %reduce_min3A_864 : vector<32xf32> to vector<32x1xf32>
        %gt3A_866 = vector.broadcast %broadcast_in_dim3A_858 : vector<32x1xf32> to vector<32x640xf32>
        %gt3A_867 = arith.cmpf ogt, %slice3A_638, %gt3A_866 : vector<32x640xf32>
        %broadcast_in_dim3A_868 = vector.broadcast %scan3A : f32 to vector<32x640xf32>
        %select_n3A_869 = arith.select %gt3A_867, %slice3A_638, %broadcast_in_dim3A_868 : vector<32x640xi1>, vector<32x640xf32>
        %reduce_min3A_870 = arith.constant dense<0x7F800000> : vector<32xf32>
        %reduce_min3A_871 = vector.multi_reduction <minimumf>, %select_n3A_869, %reduce_min3A_870 [1] : vector<32x640xf32> to vector<32xf32>
        %broadcast_in_dim3A_872 = vector.shape_cast %reduce_min3A_871 : vector<32xf32> to vector<32x1xf32>
        %eq3A_873 = vector.broadcast %broadcast_in_dim3A_872 : vector<32x1xf32> to vector<32x640xf32>
        %eq3A_874 = arith.cmpf oeq, %select_n3A_869, %eq3A_873 : vector<32x640xf32>
        %broadcast_in_dim3A_875 = vector.broadcast %scan3A_10 : f32 to vector<32x640xf32>
        %select_n3A_876 = arith.select %eq3A_874, %slice3A_639, %broadcast_in_dim3A_875 : vector<32x640xi1>, vector<32x640xf32>
        %reduce_min3A_877 = arith.constant dense<0x7F800000> : vector<32xf32>
        %reduce_min3A_878 = vector.multi_reduction <minimumf>, %select_n3A_876, %reduce_min3A_877 [1] : vector<32x640xf32> to vector<32xf32>
        %broadcast_in_dim3A_879 = vector.shape_cast %reduce_min3A_878 : vector<32xf32> to vector<32x1xf32>
        %gt3A_880 = vector.broadcast %broadcast_in_dim3A_872 : vector<32x1xf32> to vector<32x640xf32>
        %gt3A_881 = arith.cmpf ogt, %slice3A_638, %gt3A_880 : vector<32x640xf32>
        %broadcast_in_dim3A_882 = vector.broadcast %scan3A : f32 to vector<32x640xf32>
        %select_n3A_883 = arith.select %gt3A_881, %slice3A_638, %broadcast_in_dim3A_882 : vector<32x640xi1>, vector<32x640xf32>
        %reduce_min3A_884 = arith.constant dense<0x7F800000> : vector<32xf32>
        %reduce_min3A_885 = vector.multi_reduction <minimumf>, %select_n3A_883, %reduce_min3A_884 [1] : vector<32x640xf32> to vector<32xf32>
        %broadcast_in_dim3A_886 = vector.shape_cast %reduce_min3A_885 : vector<32xf32> to vector<32x1xf32>
        %eq3A_887 = vector.broadcast %broadcast_in_dim3A_886 : vector<32x1xf32> to vector<32x640xf32>
        %eq3A_888 = arith.cmpf oeq, %select_n3A_883, %eq3A_887 : vector<32x640xf32>
        %broadcast_in_dim3A_889 = vector.broadcast %scan3A_10 : f32 to vector<32x640xf32>
        %select_n3A_890 = arith.select %eq3A_888, %slice3A_639, %broadcast_in_dim3A_889 : vector<32x640xi1>, vector<32x640xf32>
        %reduce_min3A_891 = arith.constant dense<0x7F800000> : vector<32xf32>
        %reduce_min3A_892 = vector.multi_reduction <minimumf>, %select_n3A_890, %reduce_min3A_891 [1] : vector<32x640xf32> to vector<32xf32>
        %broadcast_in_dim3A_893 = vector.shape_cast %reduce_min3A_892 : vector<32xf32> to vector<32x1xf32>
        %gt3A_894 = vector.broadcast %broadcast_in_dim3A_886 : vector<32x1xf32> to vector<32x640xf32>
        %gt3A_895 = arith.cmpf ogt, %slice3A_638, %gt3A_894 : vector<32x640xf32>
        %broadcast_in_dim3A_896 = vector.broadcast %scan3A : f32 to vector<32x640xf32>
        %select_n3A_897 = arith.select %gt3A_895, %slice3A_638, %broadcast_in_dim3A_896 : vector<32x640xi1>, vector<32x640xf32>
        %reduce_min3A_898 = arith.constant dense<0x7F800000> : vector<32xf32>
        %reduce_min3A_899 = vector.multi_reduction <minimumf>, %select_n3A_897, %reduce_min3A_898 [1] : vector<32x640xf32> to vector<32xf32>
        %broadcast_in_dim3A_900 = vector.shape_cast %reduce_min3A_899 : vector<32xf32> to vector<32x1xf32>
        %eq3A_901 = vector.broadcast %broadcast_in_dim3A_900 : vector<32x1xf32> to vector<32x640xf32>
        %eq3A_902 = arith.cmpf oeq, %select_n3A_897, %eq3A_901 : vector<32x640xf32>
        %broadcast_in_dim3A_903 = vector.broadcast %scan3A_10 : f32 to vector<32x640xf32>
        %select_n3A_904 = arith.select %eq3A_902, %slice3A_639, %broadcast_in_dim3A_903 : vector<32x640xi1>, vector<32x640xf32>
        %reduce_min3A_905 = arith.constant dense<0x7F800000> : vector<32xf32>
        %reduce_min3A_906 = vector.multi_reduction <minimumf>, %select_n3A_904, %reduce_min3A_905 [1] : vector<32x640xf32> to vector<32xf32>
        %broadcast_in_dim3A_907 = vector.shape_cast %reduce_min3A_906 : vector<32xf32> to vector<32x1xf32>
        %gt3A_908 = vector.broadcast %broadcast_in_dim3A_900 : vector<32x1xf32> to vector<32x640xf32>
        %gt3A_909 = arith.cmpf ogt, %slice3A_638, %gt3A_908 : vector<32x640xf32>
        %broadcast_in_dim3A_910 = vector.broadcast %scan3A : f32 to vector<32x640xf32>
        %select_n3A_911 = arith.select %gt3A_909, %slice3A_638, %broadcast_in_dim3A_910 : vector<32x640xi1>, vector<32x640xf32>
        %reduce_min3A_912 = arith.constant dense<0x7F800000> : vector<32xf32>
        %reduce_min3A_913 = vector.multi_reduction <minimumf>, %select_n3A_911, %reduce_min3A_912 [1] : vector<32x640xf32> to vector<32xf32>
        %broadcast_in_dim3A_914 = vector.shape_cast %reduce_min3A_913 : vector<32xf32> to vector<32x1xf32>
        %eq3A_915 = vector.broadcast %broadcast_in_dim3A_914 : vector<32x1xf32> to vector<32x640xf32>
        %eq3A_916 = arith.cmpf oeq, %select_n3A_911, %eq3A_915 : vector<32x640xf32>
        %broadcast_in_dim3A_917 = vector.broadcast %scan3A_10 : f32 to vector<32x640xf32>
        %select_n3A_918 = arith.select %eq3A_916, %slice3A_639, %broadcast_in_dim3A_917 : vector<32x640xi1>, vector<32x640xf32>
        %reduce_min3A_919 = arith.constant dense<0x7F800000> : vector<32xf32>
        %reduce_min3A_920 = vector.multi_reduction <minimumf>, %select_n3A_918, %reduce_min3A_919 [1] : vector<32x640xf32> to vector<32xf32>
        %broadcast_in_dim3A_921 = vector.shape_cast %reduce_min3A_920 : vector<32xf32> to vector<32x1xf32>
        %broadcast_in_dim3A_922 = vector.broadcast %scan3A : f32 to vector<32x108xf32>
        %broadcast_in_dim3A_923 = vector.broadcast %scan3A_10 : f32 to vector<32x108xf32>
        %concatenate3A_924 = tpu.concatenate %broadcast_in_dim3A_648, %broadcast_in_dim3A_662, %broadcast_in_dim3A_676, %broadcast_in_dim3A_690, %broadcast_in_dim3A_704, %broadcast_in_dim3A_718, %broadcast_in_dim3A_732, %broadcast_in_dim3A_746, %broadcast_in_dim3A_760, %broadcast_in_dim3A_774, %broadcast_in_dim3A_788, %broadcast_in_dim3A_802, %broadcast_in_dim3A_816, %broadcast_in_dim3A_830, %broadcast_in_dim3A_844, %broadcast_in_dim3A_858, %broadcast_in_dim3A_872, %broadcast_in_dim3A_886, %broadcast_in_dim3A_900, %broadcast_in_dim3A_914, %broadcast_in_dim3A_922 in 1 : vector<32x1xf32>, vector<32x1xf32>, vector<32x1xf32>, vector<32x1xf32>, vector<32x1xf32>, vector<32x1xf32>, vector<32x1xf32>, vector<32x1xf32>, vector<32x1xf32>, vector<32x1xf32>, vector<32x1xf32>, vector<32x1xf32>, vector<32x1xf32>, vector<32x1xf32>, vector<32x1xf32>, vector<32x1xf32>, vector<32x1xf32>, vector<32x1xf32>, vector<32x1xf32>, vector<32x1xf32>, vector<32x108xf32> -> vector<32x128xf32>
        %concatenate3A_925 = tpu.concatenate %broadcast_in_dim3A_655, %broadcast_in_dim3A_669, %broadcast_in_dim3A_683, %broadcast_in_dim3A_697, %broadcast_in_dim3A_711, %broadcast_in_dim3A_725, %broadcast_in_dim3A_739, %broadcast_in_dim3A_753, %broadcast_in_dim3A_767, %broadcast_in_dim3A_781, %broadcast_in_dim3A_795, %broadcast_in_dim3A_809, %broadcast_in_dim3A_823, %broadcast_in_dim3A_837, %broadcast_in_dim3A_851, %broadcast_in_dim3A_865, %broadcast_in_dim3A_879, %broadcast_in_dim3A_893, %broadcast_in_dim3A_907, %broadcast_in_dim3A_921, %broadcast_in_dim3A_923 in 1 : vector<32x1xf32>, vector<32x1xf32>, vector<32x1xf32>, vector<32x1xf32>, vector<32x1xf32>, vector<32x1xf32>, vector<32x1xf32>, vector<32x1xf32>, vector<32x1xf32>, vector<32x1xf32>, vector<32x1xf32>, vector<32x1xf32>, vector<32x1xf32>, vector<32x1xf32>, vector<32x1xf32>, vector<32x1xf32>, vector<32x1xf32>, vector<32x1xf32>, vector<32x1xf32>, vector<32x1xf32>, vector<32x108xf32> -> vector<32x128xf32>
        %slice3A_926 = vector.extract_strided_slice %concatenate3A {offsets = [96, 0], sizes = [32, 640], strides = [1, 1]} : vector<128x640xf32> to vector<32x640xf32>
        %slice3A_927 = vector.extract_strided_slice %concatenate3A_62 {offsets = [96, 0], sizes = [32, 640], strides = [1, 1]} : vector<128x640xf32> to vector<32x640xf32>
        %broadcast_in_dim3A_928 = arith.constant 0xFF800000 : f32
        %broadcast_in_dim3A_929 = vector.broadcast %broadcast_in_dim3A_928 : f32 to vector<32x1xf32>
        %gt3A_930 = vector.broadcast %broadcast_in_dim3A_929 : vector<32x1xf32> to vector<32x640xf32>
        %gt3A_931 = arith.cmpf ogt, %slice3A_926, %gt3A_930 : vector<32x640xf32>
        %broadcast_in_dim3A_932 = vector.broadcast %scan3A : f32 to vector<32x640xf32>
        %select_n3A_933 = arith.select %gt3A_931, %slice3A_926, %broadcast_in_dim3A_932 : vector<32x640xi1>, vector<32x640xf32>
        %reduce_min3A_934 = arith.constant dense<0x7F800000> : vector<32xf32>
        %reduce_min3A_935 = vector.multi_reduction <minimumf>, %select_n3A_933, %reduce_min3A_934 [1] : vector<32x640xf32> to vector<32xf32>
        %broadcast_in_dim3A_936 = vector.shape_cast %reduce_min3A_935 : vector<32xf32> to vector<32x1xf32>
        %eq3A_937 = vector.broadcast %broadcast_in_dim3A_936 : vector<32x1xf32> to vector<32x640xf32>
        %eq3A_938 = arith.cmpf oeq, %select_n3A_933, %eq3A_937 : vector<32x640xf32>
        %broadcast_in_dim3A_939 = vector.broadcast %scan3A_10 : f32 to vector<32x640xf32>
        %select_n3A_940 = arith.select %eq3A_938, %slice3A_927, %broadcast_in_dim3A_939 : vector<32x640xi1>, vector<32x640xf32>
        %reduce_min3A_941 = arith.constant dense<0x7F800000> : vector<32xf32>
        %reduce_min3A_942 = vector.multi_reduction <minimumf>, %select_n3A_940, %reduce_min3A_941 [1] : vector<32x640xf32> to vector<32xf32>
        %broadcast_in_dim3A_943 = vector.shape_cast %reduce_min3A_942 : vector<32xf32> to vector<32x1xf32>
        %gt3A_944 = vector.broadcast %broadcast_in_dim3A_936 : vector<32x1xf32> to vector<32x640xf32>
        %gt3A_945 = arith.cmpf ogt, %slice3A_926, %gt3A_944 : vector<32x640xf32>
        %broadcast_in_dim3A_946 = vector.broadcast %scan3A : f32 to vector<32x640xf32>
        %select_n3A_947 = arith.select %gt3A_945, %slice3A_926, %broadcast_in_dim3A_946 : vector<32x640xi1>, vector<32x640xf32>
        %reduce_min3A_948 = arith.constant dense<0x7F800000> : vector<32xf32>
        %reduce_min3A_949 = vector.multi_reduction <minimumf>, %select_n3A_947, %reduce_min3A_948 [1] : vector<32x640xf32> to vector<32xf32>
        %broadcast_in_dim3A_950 = vector.shape_cast %reduce_min3A_949 : vector<32xf32> to vector<32x1xf32>
        %eq3A_951 = vector.broadcast %broadcast_in_dim3A_950 : vector<32x1xf32> to vector<32x640xf32>
        %eq3A_952 = arith.cmpf oeq, %select_n3A_947, %eq3A_951 : vector<32x640xf32>
        %broadcast_in_dim3A_953 = vector.broadcast %scan3A_10 : f32 to vector<32x640xf32>
        %select_n3A_954 = arith.select %eq3A_952, %slice3A_927, %broadcast_in_dim3A_953 : vector<32x640xi1>, vector<32x640xf32>
        %reduce_min3A_955 = arith.constant dense<0x7F800000> : vector<32xf32>
        %reduce_min3A_956 = vector.multi_reduction <minimumf>, %select_n3A_954, %reduce_min3A_955 [1] : vector<32x640xf32> to vector<32xf32>
        %broadcast_in_dim3A_957 = vector.shape_cast %reduce_min3A_956 : vector<32xf32> to vector<32x1xf32>
        %gt3A_958 = vector.broadcast %broadcast_in_dim3A_950 : vector<32x1xf32> to vector<32x640xf32>
        %gt3A_959 = arith.cmpf ogt, %slice3A_926, %gt3A_958 : vector<32x640xf32>
        %broadcast_in_dim3A_960 = vector.broadcast %scan3A : f32 to vector<32x640xf32>
        %select_n3A_961 = arith.select %gt3A_959, %slice3A_926, %broadcast_in_dim3A_960 : vector<32x640xi1>, vector<32x640xf32>
        %reduce_min3A_962 = arith.constant dense<0x7F800000> : vector<32xf32>
        %reduce_min3A_963 = vector.multi_reduction <minimumf>, %select_n3A_961, %reduce_min3A_962 [1] : vector<32x640xf32> to vector<32xf32>
        %broadcast_in_dim3A_964 = vector.shape_cast %reduce_min3A_963 : vector<32xf32> to vector<32x1xf32>
        %eq3A_965 = vector.broadcast %broadcast_in_dim3A_964 : vector<32x1xf32> to vector<32x640xf32>
        %eq3A_966 = arith.cmpf oeq, %select_n3A_961, %eq3A_965 : vector<32x640xf32>
        %broadcast_in_dim3A_967 = vector.broadcast %scan3A_10 : f32 to vector<32x640xf32>
        %select_n3A_968 = arith.select %eq3A_966, %slice3A_927, %broadcast_in_dim3A_967 : vector<32x640xi1>, vector<32x640xf32>
        %reduce_min3A_969 = arith.constant dense<0x7F800000> : vector<32xf32>
        %reduce_min3A_970 = vector.multi_reduction <minimumf>, %select_n3A_968, %reduce_min3A_969 [1] : vector<32x640xf32> to vector<32xf32>
        %broadcast_in_dim3A_971 = vector.shape_cast %reduce_min3A_970 : vector<32xf32> to vector<32x1xf32>
        %gt3A_972 = vector.broadcast %broadcast_in_dim3A_964 : vector<32x1xf32> to vector<32x640xf32>
        %gt3A_973 = arith.cmpf ogt, %slice3A_926, %gt3A_972 : vector<32x640xf32>
        %broadcast_in_dim3A_974 = vector.broadcast %scan3A : f32 to vector<32x640xf32>
        %select_n3A_975 = arith.select %gt3A_973, %slice3A_926, %broadcast_in_dim3A_974 : vector<32x640xi1>, vector<32x640xf32>
        %reduce_min3A_976 = arith.constant dense<0x7F800000> : vector<32xf32>
        %reduce_min3A_977 = vector.multi_reduction <minimumf>, %select_n3A_975, %reduce_min3A_976 [1] : vector<32x640xf32> to vector<32xf32>
        %broadcast_in_dim3A_978 = vector.shape_cast %reduce_min3A_977 : vector<32xf32> to vector<32x1xf32>
        %eq3A_979 = vector.broadcast %broadcast_in_dim3A_978 : vector<32x1xf32> to vector<32x640xf32>
        %eq3A_980 = arith.cmpf oeq, %select_n3A_975, %eq3A_979 : vector<32x640xf32>
        %broadcast_in_dim3A_981 = vector.broadcast %scan3A_10 : f32 to vector<32x640xf32>
        %select_n3A_982 = arith.select %eq3A_980, %slice3A_927, %broadcast_in_dim3A_981 : vector<32x640xi1>, vector<32x640xf32>
        %reduce_min3A_983 = arith.constant dense<0x7F800000> : vector<32xf32>
        %reduce_min3A_984 = vector.multi_reduction <minimumf>, %select_n3A_982, %reduce_min3A_983 [1] : vector<32x640xf32> to vector<32xf32>
        %broadcast_in_dim3A_985 = vector.shape_cast %reduce_min3A_984 : vector<32xf32> to vector<32x1xf32>
        %gt3A_986 = vector.broadcast %broadcast_in_dim3A_978 : vector<32x1xf32> to vector<32x640xf32>
        %gt3A_987 = arith.cmpf ogt, %slice3A_926, %gt3A_986 : vector<32x640xf32>
        %broadcast_in_dim3A_988 = vector.broadcast %scan3A : f32 to vector<32x640xf32>
        %select_n3A_989 = arith.select %gt3A_987, %slice3A_926, %broadcast_in_dim3A_988 : vector<32x640xi1>, vector<32x640xf32>
        %reduce_min3A_990 = arith.constant dense<0x7F800000> : vector<32xf32>
        %reduce_min3A_991 = vector.multi_reduction <minimumf>, %select_n3A_989, %reduce_min3A_990 [1] : vector<32x640xf32> to vector<32xf32>
        %broadcast_in_dim3A_992 = vector.shape_cast %reduce_min3A_991 : vector<32xf32> to vector<32x1xf32>
        %eq3A_993 = vector.broadcast %broadcast_in_dim3A_992 : vector<32x1xf32> to vector<32x640xf32>
        %eq3A_994 = arith.cmpf oeq, %select_n3A_989, %eq3A_993 : vector<32x640xf32>
        %broadcast_in_dim3A_995 = vector.broadcast %scan3A_10 : f32 to vector<32x640xf32>
        %select_n3A_996 = arith.select %eq3A_994, %slice3A_927, %broadcast_in_dim3A_995 : vector<32x640xi1>, vector<32x640xf32>
        %reduce_min3A_997 = arith.constant dense<0x7F800000> : vector<32xf32>
        %reduce_min3A_998 = vector.multi_reduction <minimumf>, %select_n3A_996, %reduce_min3A_997 [1] : vector<32x640xf32> to vector<32xf32>
        %broadcast_in_dim3A_999 = vector.shape_cast %reduce_min3A_998 : vector<32xf32> to vector<32x1xf32>
        %gt3A_1000 = vector.broadcast %broadcast_in_dim3A_992 : vector<32x1xf32> to vector<32x640xf32>
        %gt3A_1001 = arith.cmpf ogt, %slice3A_926, %gt3A_1000 : vector<32x640xf32>
        %broadcast_in_dim3A_1002 = vector.broadcast %scan3A : f32 to vector<32x640xf32>
        %select_n3A_1003 = arith.select %gt3A_1001, %slice3A_926, %broadcast_in_dim3A_1002 : vector<32x640xi1>, vector<32x640xf32>
        %reduce_min3A_1004 = arith.constant dense<0x7F800000> : vector<32xf32>
        %reduce_min3A_1005 = vector.multi_reduction <minimumf>, %select_n3A_1003, %reduce_min3A_1004 [1] : vector<32x640xf32> to vector<32xf32>
        %broadcast_in_dim3A_1006 = vector.shape_cast %reduce_min3A_1005 : vector<32xf32> to vector<32x1xf32>
        %eq3A_1007 = vector.broadcast %broadcast_in_dim3A_1006 : vector<32x1xf32> to vector<32x640xf32>
        %eq3A_1008 = arith.cmpf oeq, %select_n3A_1003, %eq3A_1007 : vector<32x640xf32>
        %broadcast_in_dim3A_1009 = vector.broadcast %scan3A_10 : f32 to vector<32x640xf32>
        %select_n3A_1010 = arith.select %eq3A_1008, %slice3A_927, %broadcast_in_dim3A_1009 : vector<32x640xi1>, vector<32x640xf32>
        %reduce_min3A_1011 = arith.constant dense<0x7F800000> : vector<32xf32>
        %reduce_min3A_1012 = vector.multi_reduction <minimumf>, %select_n3A_1010, %reduce_min3A_1011 [1] : vector<32x640xf32> to vector<32xf32>
        %broadcast_in_dim3A_1013 = vector.shape_cast %reduce_min3A_1012 : vector<32xf32> to vector<32x1xf32>
        %gt3A_1014 = vector.broadcast %broadcast_in_dim3A_1006 : vector<32x1xf32> to vector<32x640xf32>
        %gt3A_1015 = arith.cmpf ogt, %slice3A_926, %gt3A_1014 : vector<32x640xf32>
        %broadcast_in_dim3A_1016 = vector.broadcast %scan3A : f32 to vector<32x640xf32>
        %select_n3A_1017 = arith.select %gt3A_1015, %slice3A_926, %broadcast_in_dim3A_1016 : vector<32x640xi1>, vector<32x640xf32>
        %reduce_min3A_1018 = arith.constant dense<0x7F800000> : vector<32xf32>
        %reduce_min3A_1019 = vector.multi_reduction <minimumf>, %select_n3A_1017, %reduce_min3A_1018 [1] : vector<32x640xf32> to vector<32xf32>
        %broadcast_in_dim3A_1020 = vector.shape_cast %reduce_min3A_1019 : vector<32xf32> to vector<32x1xf32>
        %eq3A_1021 = vector.broadcast %broadcast_in_dim3A_1020 : vector<32x1xf32> to vector<32x640xf32>
        %eq3A_1022 = arith.cmpf oeq, %select_n3A_1017, %eq3A_1021 : vector<32x640xf32>
        %broadcast_in_dim3A_1023 = vector.broadcast %scan3A_10 : f32 to vector<32x640xf32>
        %select_n3A_1024 = arith.select %eq3A_1022, %slice3A_927, %broadcast_in_dim3A_1023 : vector<32x640xi1>, vector<32x640xf32>
        %reduce_min3A_1025 = arith.constant dense<0x7F800000> : vector<32xf32>
        %reduce_min3A_1026 = vector.multi_reduction <minimumf>, %select_n3A_1024, %reduce_min3A_1025 [1] : vector<32x640xf32> to vector<32xf32>
        %broadcast_in_dim3A_1027 = vector.shape_cast %reduce_min3A_1026 : vector<32xf32> to vector<32x1xf32>
        %gt3A_1028 = vector.broadcast %broadcast_in_dim3A_1020 : vector<32x1xf32> to vector<32x640xf32>
        %gt3A_1029 = arith.cmpf ogt, %slice3A_926, %gt3A_1028 : vector<32x640xf32>
        %broadcast_in_dim3A_1030 = vector.broadcast %scan3A : f32 to vector<32x640xf32>
        %select_n3A_1031 = arith.select %gt3A_1029, %slice3A_926, %broadcast_in_dim3A_1030 : vector<32x640xi1>, vector<32x640xf32>
        %reduce_min3A_1032 = arith.constant dense<0x7F800000> : vector<32xf32>
        %reduce_min3A_1033 = vector.multi_reduction <minimumf>, %select_n3A_1031, %reduce_min3A_1032 [1] : vector<32x640xf32> to vector<32xf32>
        %broadcast_in_dim3A_1034 = vector.shape_cast %reduce_min3A_1033 : vector<32xf32> to vector<32x1xf32>
        %eq3A_1035 = vector.broadcast %broadcast_in_dim3A_1034 : vector<32x1xf32> to vector<32x640xf32>
        %eq3A_1036 = arith.cmpf oeq, %select_n3A_1031, %eq3A_1035 : vector<32x640xf32>
        %broadcast_in_dim3A_1037 = vector.broadcast %scan3A_10 : f32 to vector<32x640xf32>
        %select_n3A_1038 = arith.select %eq3A_1036, %slice3A_927, %broadcast_in_dim3A_1037 : vector<32x640xi1>, vector<32x640xf32>
        %reduce_min3A_1039 = arith.constant dense<0x7F800000> : vector<32xf32>
        %reduce_min3A_1040 = vector.multi_reduction <minimumf>, %select_n3A_1038, %reduce_min3A_1039 [1] : vector<32x640xf32> to vector<32xf32>
        %broadcast_in_dim3A_1041 = vector.shape_cast %reduce_min3A_1040 : vector<32xf32> to vector<32x1xf32>
        %gt3A_1042 = vector.broadcast %broadcast_in_dim3A_1034 : vector<32x1xf32> to vector<32x640xf32>
        %gt3A_1043 = arith.cmpf ogt, %slice3A_926, %gt3A_1042 : vector<32x640xf32>
        %broadcast_in_dim3A_1044 = vector.broadcast %scan3A : f32 to vector<32x640xf32>
        %select_n3A_1045 = arith.select %gt3A_1043, %slice3A_926, %broadcast_in_dim3A_1044 : vector<32x640xi1>, vector<32x640xf32>
        %reduce_min3A_1046 = arith.constant dense<0x7F800000> : vector<32xf32>
        %reduce_min3A_1047 = vector.multi_reduction <minimumf>, %select_n3A_1045, %reduce_min3A_1046 [1] : vector<32x640xf32> to vector<32xf32>
        %broadcast_in_dim3A_1048 = vector.shape_cast %reduce_min3A_1047 : vector<32xf32> to vector<32x1xf32>
        %eq3A_1049 = vector.broadcast %broadcast_in_dim3A_1048 : vector<32x1xf32> to vector<32x640xf32>
        %eq3A_1050 = arith.cmpf oeq, %select_n3A_1045, %eq3A_1049 : vector<32x640xf32>
        %broadcast_in_dim3A_1051 = vector.broadcast %scan3A_10 : f32 to vector<32x640xf32>
        %select_n3A_1052 = arith.select %eq3A_1050, %slice3A_927, %broadcast_in_dim3A_1051 : vector<32x640xi1>, vector<32x640xf32>
        %reduce_min3A_1053 = arith.constant dense<0x7F800000> : vector<32xf32>
        %reduce_min3A_1054 = vector.multi_reduction <minimumf>, %select_n3A_1052, %reduce_min3A_1053 [1] : vector<32x640xf32> to vector<32xf32>
        %broadcast_in_dim3A_1055 = vector.shape_cast %reduce_min3A_1054 : vector<32xf32> to vector<32x1xf32>
        %gt3A_1056 = vector.broadcast %broadcast_in_dim3A_1048 : vector<32x1xf32> to vector<32x640xf32>
        %gt3A_1057 = arith.cmpf ogt, %slice3A_926, %gt3A_1056 : vector<32x640xf32>
        %broadcast_in_dim3A_1058 = vector.broadcast %scan3A : f32 to vector<32x640xf32>
        %select_n3A_1059 = arith.select %gt3A_1057, %slice3A_926, %broadcast_in_dim3A_1058 : vector<32x640xi1>, vector<32x640xf32>
        %reduce_min3A_1060 = arith.constant dense<0x7F800000> : vector<32xf32>
        %reduce_min3A_1061 = vector.multi_reduction <minimumf>, %select_n3A_1059, %reduce_min3A_1060 [1] : vector<32x640xf32> to vector<32xf32>
        %broadcast_in_dim3A_1062 = vector.shape_cast %reduce_min3A_1061 : vector<32xf32> to vector<32x1xf32>
        %eq3A_1063 = vector.broadcast %broadcast_in_dim3A_1062 : vector<32x1xf32> to vector<32x640xf32>
        %eq3A_1064 = arith.cmpf oeq, %select_n3A_1059, %eq3A_1063 : vector<32x640xf32>
        %broadcast_in_dim3A_1065 = vector.broadcast %scan3A_10 : f32 to vector<32x640xf32>
        %select_n3A_1066 = arith.select %eq3A_1064, %slice3A_927, %broadcast_in_dim3A_1065 : vector<32x640xi1>, vector<32x640xf32>
        %reduce_min3A_1067 = arith.constant dense<0x7F800000> : vector<32xf32>
        %reduce_min3A_1068 = vector.multi_reduction <minimumf>, %select_n3A_1066, %reduce_min3A_1067 [1] : vector<32x640xf32> to vector<32xf32>
        %broadcast_in_dim3A_1069 = vector.shape_cast %reduce_min3A_1068 : vector<32xf32> to vector<32x1xf32>
        %gt3A_1070 = vector.broadcast %broadcast_in_dim3A_1062 : vector<32x1xf32> to vector<32x640xf32>
        %gt3A_1071 = arith.cmpf ogt, %slice3A_926, %gt3A_1070 : vector<32x640xf32>
        %broadcast_in_dim3A_1072 = vector.broadcast %scan3A : f32 to vector<32x640xf32>
        %select_n3A_1073 = arith.select %gt3A_1071, %slice3A_926, %broadcast_in_dim3A_1072 : vector<32x640xi1>, vector<32x640xf32>
        %reduce_min3A_1074 = arith.constant dense<0x7F800000> : vector<32xf32>
        %reduce_min3A_1075 = vector.multi_reduction <minimumf>, %select_n3A_1073, %reduce_min3A_1074 [1] : vector<32x640xf32> to vector<32xf32>
        %broadcast_in_dim3A_1076 = vector.shape_cast %reduce_min3A_1075 : vector<32xf32> to vector<32x1xf32>
        %eq3A_1077 = vector.broadcast %broadcast_in_dim3A_1076 : vector<32x1xf32> to vector<32x640xf32>
        %eq3A_1078 = arith.cmpf oeq, %select_n3A_1073, %eq3A_1077 : vector<32x640xf32>
        %broadcast_in_dim3A_1079 = vector.broadcast %scan3A_10 : f32 to vector<32x640xf32>
        %select_n3A_1080 = arith.select %eq3A_1078, %slice3A_927, %broadcast_in_dim3A_1079 : vector<32x640xi1>, vector<32x640xf32>
        %reduce_min3A_1081 = arith.constant dense<0x7F800000> : vector<32xf32>
        %reduce_min3A_1082 = vector.multi_reduction <minimumf>, %select_n3A_1080, %reduce_min3A_1081 [1] : vector<32x640xf32> to vector<32xf32>
        %broadcast_in_dim3A_1083 = vector.shape_cast %reduce_min3A_1082 : vector<32xf32> to vector<32x1xf32>
        %gt3A_1084 = vector.broadcast %broadcast_in_dim3A_1076 : vector<32x1xf32> to vector<32x640xf32>
        %gt3A_1085 = arith.cmpf ogt, %slice3A_926, %gt3A_1084 : vector<32x640xf32>
        %broadcast_in_dim3A_1086 = vector.broadcast %scan3A : f32 to vector<32x640xf32>
        %select_n3A_1087 = arith.select %gt3A_1085, %slice3A_926, %broadcast_in_dim3A_1086 : vector<32x640xi1>, vector<32x640xf32>
        %reduce_min3A_1088 = arith.constant dense<0x7F800000> : vector<32xf32>
        %reduce_min3A_1089 = vector.multi_reduction <minimumf>, %select_n3A_1087, %reduce_min3A_1088 [1] : vector<32x640xf32> to vector<32xf32>
        %broadcast_in_dim3A_1090 = vector.shape_cast %reduce_min3A_1089 : vector<32xf32> to vector<32x1xf32>
        %eq3A_1091 = vector.broadcast %broadcast_in_dim3A_1090 : vector<32x1xf32> to vector<32x640xf32>
        %eq3A_1092 = arith.cmpf oeq, %select_n3A_1087, %eq3A_1091 : vector<32x640xf32>
        %broadcast_in_dim3A_1093 = vector.broadcast %scan3A_10 : f32 to vector<32x640xf32>
        %select_n3A_1094 = arith.select %eq3A_1092, %slice3A_927, %broadcast_in_dim3A_1093 : vector<32x640xi1>, vector<32x640xf32>
        %reduce_min3A_1095 = arith.constant dense<0x7F800000> : vector<32xf32>
        %reduce_min3A_1096 = vector.multi_reduction <minimumf>, %select_n3A_1094, %reduce_min3A_1095 [1] : vector<32x640xf32> to vector<32xf32>
        %broadcast_in_dim3A_1097 = vector.shape_cast %reduce_min3A_1096 : vector<32xf32> to vector<32x1xf32>
        %gt3A_1098 = vector.broadcast %broadcast_in_dim3A_1090 : vector<32x1xf32> to vector<32x640xf32>
        %gt3A_1099 = arith.cmpf ogt, %slice3A_926, %gt3A_1098 : vector<32x640xf32>
        %broadcast_in_dim3A_1100 = vector.broadcast %scan3A : f32 to vector<32x640xf32>
        %select_n3A_1101 = arith.select %gt3A_1099, %slice3A_926, %broadcast_in_dim3A_1100 : vector<32x640xi1>, vector<32x640xf32>
        %reduce_min3A_1102 = arith.constant dense<0x7F800000> : vector<32xf32>
        %reduce_min3A_1103 = vector.multi_reduction <minimumf>, %select_n3A_1101, %reduce_min3A_1102 [1] : vector<32x640xf32> to vector<32xf32>
        %broadcast_in_dim3A_1104 = vector.shape_cast %reduce_min3A_1103 : vector<32xf32> to vector<32x1xf32>
        %eq3A_1105 = vector.broadcast %broadcast_in_dim3A_1104 : vector<32x1xf32> to vector<32x640xf32>
        %eq3A_1106 = arith.cmpf oeq, %select_n3A_1101, %eq3A_1105 : vector<32x640xf32>
        %broadcast_in_dim3A_1107 = vector.broadcast %scan3A_10 : f32 to vector<32x640xf32>
        %select_n3A_1108 = arith.select %eq3A_1106, %slice3A_927, %broadcast_in_dim3A_1107 : vector<32x640xi1>, vector<32x640xf32>
        %reduce_min3A_1109 = arith.constant dense<0x7F800000> : vector<32xf32>
        %reduce_min3A_1110 = vector.multi_reduction <minimumf>, %select_n3A_1108, %reduce_min3A_1109 [1] : vector<32x640xf32> to vector<32xf32>
        %broadcast_in_dim3A_1111 = vector.shape_cast %reduce_min3A_1110 : vector<32xf32> to vector<32x1xf32>
        %gt3A_1112 = vector.broadcast %broadcast_in_dim3A_1104 : vector<32x1xf32> to vector<32x640xf32>
        %gt3A_1113 = arith.cmpf ogt, %slice3A_926, %gt3A_1112 : vector<32x640xf32>
        %broadcast_in_dim3A_1114 = vector.broadcast %scan3A : f32 to vector<32x640xf32>
        %select_n3A_1115 = arith.select %gt3A_1113, %slice3A_926, %broadcast_in_dim3A_1114 : vector<32x640xi1>, vector<32x640xf32>
        %reduce_min3A_1116 = arith.constant dense<0x7F800000> : vector<32xf32>
        %reduce_min3A_1117 = vector.multi_reduction <minimumf>, %select_n3A_1115, %reduce_min3A_1116 [1] : vector<32x640xf32> to vector<32xf32>
        %broadcast_in_dim3A_1118 = vector.shape_cast %reduce_min3A_1117 : vector<32xf32> to vector<32x1xf32>
        %eq3A_1119 = vector.broadcast %broadcast_in_dim3A_1118 : vector<32x1xf32> to vector<32x640xf32>
        %eq3A_1120 = arith.cmpf oeq, %select_n3A_1115, %eq3A_1119 : vector<32x640xf32>
        %broadcast_in_dim3A_1121 = vector.broadcast %scan3A_10 : f32 to vector<32x640xf32>
        %select_n3A_1122 = arith.select %eq3A_1120, %slice3A_927, %broadcast_in_dim3A_1121 : vector<32x640xi1>, vector<32x640xf32>
        %reduce_min3A_1123 = arith.constant dense<0x7F800000> : vector<32xf32>
        %reduce_min3A_1124 = vector.multi_reduction <minimumf>, %select_n3A_1122, %reduce_min3A_1123 [1] : vector<32x640xf32> to vector<32xf32>
        %broadcast_in_dim3A_1125 = vector.shape_cast %reduce_min3A_1124 : vector<32xf32> to vector<32x1xf32>
        %gt3A_1126 = vector.broadcast %broadcast_in_dim3A_1118 : vector<32x1xf32> to vector<32x640xf32>
        %gt3A_1127 = arith.cmpf ogt, %slice3A_926, %gt3A_1126 : vector<32x640xf32>
        %broadcast_in_dim3A_1128 = vector.broadcast %scan3A : f32 to vector<32x640xf32>
        %select_n3A_1129 = arith.select %gt3A_1127, %slice3A_926, %broadcast_in_dim3A_1128 : vector<32x640xi1>, vector<32x640xf32>
        %reduce_min3A_1130 = arith.constant dense<0x7F800000> : vector<32xf32>
        %reduce_min3A_1131 = vector.multi_reduction <minimumf>, %select_n3A_1129, %reduce_min3A_1130 [1] : vector<32x640xf32> to vector<32xf32>
        %broadcast_in_dim3A_1132 = vector.shape_cast %reduce_min3A_1131 : vector<32xf32> to vector<32x1xf32>
        %eq3A_1133 = vector.broadcast %broadcast_in_dim3A_1132 : vector<32x1xf32> to vector<32x640xf32>
        %eq3A_1134 = arith.cmpf oeq, %select_n3A_1129, %eq3A_1133 : vector<32x640xf32>
        %broadcast_in_dim3A_1135 = vector.broadcast %scan3A_10 : f32 to vector<32x640xf32>
        %select_n3A_1136 = arith.select %eq3A_1134, %slice3A_927, %broadcast_in_dim3A_1135 : vector<32x640xi1>, vector<32x640xf32>
        %reduce_min3A_1137 = arith.constant dense<0x7F800000> : vector<32xf32>
        %reduce_min3A_1138 = vector.multi_reduction <minimumf>, %select_n3A_1136, %reduce_min3A_1137 [1] : vector<32x640xf32> to vector<32xf32>
        %broadcast_in_dim3A_1139 = vector.shape_cast %reduce_min3A_1138 : vector<32xf32> to vector<32x1xf32>
        %gt3A_1140 = vector.broadcast %broadcast_in_dim3A_1132 : vector<32x1xf32> to vector<32x640xf32>
        %gt3A_1141 = arith.cmpf ogt, %slice3A_926, %gt3A_1140 : vector<32x640xf32>
        %broadcast_in_dim3A_1142 = vector.broadcast %scan3A : f32 to vector<32x640xf32>
        %select_n3A_1143 = arith.select %gt3A_1141, %slice3A_926, %broadcast_in_dim3A_1142 : vector<32x640xi1>, vector<32x640xf32>
        %reduce_min3A_1144 = arith.constant dense<0x7F800000> : vector<32xf32>
        %reduce_min3A_1145 = vector.multi_reduction <minimumf>, %select_n3A_1143, %reduce_min3A_1144 [1] : vector<32x640xf32> to vector<32xf32>
        %broadcast_in_dim3A_1146 = vector.shape_cast %reduce_min3A_1145 : vector<32xf32> to vector<32x1xf32>
        %eq3A_1147 = vector.broadcast %broadcast_in_dim3A_1146 : vector<32x1xf32> to vector<32x640xf32>
        %eq3A_1148 = arith.cmpf oeq, %select_n3A_1143, %eq3A_1147 : vector<32x640xf32>
        %broadcast_in_dim3A_1149 = vector.broadcast %scan3A_10 : f32 to vector<32x640xf32>
        %select_n3A_1150 = arith.select %eq3A_1148, %slice3A_927, %broadcast_in_dim3A_1149 : vector<32x640xi1>, vector<32x640xf32>
        %reduce_min3A_1151 = arith.constant dense<0x7F800000> : vector<32xf32>
        %reduce_min3A_1152 = vector.multi_reduction <minimumf>, %select_n3A_1150, %reduce_min3A_1151 [1] : vector<32x640xf32> to vector<32xf32>
        %broadcast_in_dim3A_1153 = vector.shape_cast %reduce_min3A_1152 : vector<32xf32> to vector<32x1xf32>
        %gt3A_1154 = vector.broadcast %broadcast_in_dim3A_1146 : vector<32x1xf32> to vector<32x640xf32>
        %gt3A_1155 = arith.cmpf ogt, %slice3A_926, %gt3A_1154 : vector<32x640xf32>
        %broadcast_in_dim3A_1156 = vector.broadcast %scan3A : f32 to vector<32x640xf32>
        %select_n3A_1157 = arith.select %gt3A_1155, %slice3A_926, %broadcast_in_dim3A_1156 : vector<32x640xi1>, vector<32x640xf32>
        %reduce_min3A_1158 = arith.constant dense<0x7F800000> : vector<32xf32>
        %reduce_min3A_1159 = vector.multi_reduction <minimumf>, %select_n3A_1157, %reduce_min3A_1158 [1] : vector<32x640xf32> to vector<32xf32>
        %broadcast_in_dim3A_1160 = vector.shape_cast %reduce_min3A_1159 : vector<32xf32> to vector<32x1xf32>
        %eq3A_1161 = vector.broadcast %broadcast_in_dim3A_1160 : vector<32x1xf32> to vector<32x640xf32>
        %eq3A_1162 = arith.cmpf oeq, %select_n3A_1157, %eq3A_1161 : vector<32x640xf32>
        %broadcast_in_dim3A_1163 = vector.broadcast %scan3A_10 : f32 to vector<32x640xf32>
        %select_n3A_1164 = arith.select %eq3A_1162, %slice3A_927, %broadcast_in_dim3A_1163 : vector<32x640xi1>, vector<32x640xf32>
        %reduce_min3A_1165 = arith.constant dense<0x7F800000> : vector<32xf32>
        %reduce_min3A_1166 = vector.multi_reduction <minimumf>, %select_n3A_1164, %reduce_min3A_1165 [1] : vector<32x640xf32> to vector<32xf32>
        %broadcast_in_dim3A_1167 = vector.shape_cast %reduce_min3A_1166 : vector<32xf32> to vector<32x1xf32>
        %gt3A_1168 = vector.broadcast %broadcast_in_dim3A_1160 : vector<32x1xf32> to vector<32x640xf32>
        %gt3A_1169 = arith.cmpf ogt, %slice3A_926, %gt3A_1168 : vector<32x640xf32>
        %broadcast_in_dim3A_1170 = vector.broadcast %scan3A : f32 to vector<32x640xf32>
        %select_n3A_1171 = arith.select %gt3A_1169, %slice3A_926, %broadcast_in_dim3A_1170 : vector<32x640xi1>, vector<32x640xf32>
        %reduce_min3A_1172 = arith.constant dense<0x7F800000> : vector<32xf32>
        %reduce_min3A_1173 = vector.multi_reduction <minimumf>, %select_n3A_1171, %reduce_min3A_1172 [1] : vector<32x640xf32> to vector<32xf32>
        %broadcast_in_dim3A_1174 = vector.shape_cast %reduce_min3A_1173 : vector<32xf32> to vector<32x1xf32>
        %eq3A_1175 = vector.broadcast %broadcast_in_dim3A_1174 : vector<32x1xf32> to vector<32x640xf32>
        %eq3A_1176 = arith.cmpf oeq, %select_n3A_1171, %eq3A_1175 : vector<32x640xf32>
        %broadcast_in_dim3A_1177 = vector.broadcast %scan3A_10 : f32 to vector<32x640xf32>
        %select_n3A_1178 = arith.select %eq3A_1176, %slice3A_927, %broadcast_in_dim3A_1177 : vector<32x640xi1>, vector<32x640xf32>
        %reduce_min3A_1179 = arith.constant dense<0x7F800000> : vector<32xf32>
        %reduce_min3A_1180 = vector.multi_reduction <minimumf>, %select_n3A_1178, %reduce_min3A_1179 [1] : vector<32x640xf32> to vector<32xf32>
        %broadcast_in_dim3A_1181 = vector.shape_cast %reduce_min3A_1180 : vector<32xf32> to vector<32x1xf32>
        %gt3A_1182 = vector.broadcast %broadcast_in_dim3A_1174 : vector<32x1xf32> to vector<32x640xf32>
        %gt3A_1183 = arith.cmpf ogt, %slice3A_926, %gt3A_1182 : vector<32x640xf32>
        %broadcast_in_dim3A_1184 = vector.broadcast %scan3A : f32 to vector<32x640xf32>
        %select_n3A_1185 = arith.select %gt3A_1183, %slice3A_926, %broadcast_in_dim3A_1184 : vector<32x640xi1>, vector<32x640xf32>
        %reduce_min3A_1186 = arith.constant dense<0x7F800000> : vector<32xf32>
        %reduce_min3A_1187 = vector.multi_reduction <minimumf>, %select_n3A_1185, %reduce_min3A_1186 [1] : vector<32x640xf32> to vector<32xf32>
        %broadcast_in_dim3A_1188 = vector.shape_cast %reduce_min3A_1187 : vector<32xf32> to vector<32x1xf32>
        %eq3A_1189 = vector.broadcast %broadcast_in_dim3A_1188 : vector<32x1xf32> to vector<32x640xf32>
        %eq3A_1190 = arith.cmpf oeq, %select_n3A_1185, %eq3A_1189 : vector<32x640xf32>
        %broadcast_in_dim3A_1191 = vector.broadcast %scan3A_10 : f32 to vector<32x640xf32>
        %select_n3A_1192 = arith.select %eq3A_1190, %slice3A_927, %broadcast_in_dim3A_1191 : vector<32x640xi1>, vector<32x640xf32>
        %reduce_min3A_1193 = arith.constant dense<0x7F800000> : vector<32xf32>
        %reduce_min3A_1194 = vector.multi_reduction <minimumf>, %select_n3A_1192, %reduce_min3A_1193 [1] : vector<32x640xf32> to vector<32xf32>
        %broadcast_in_dim3A_1195 = vector.shape_cast %reduce_min3A_1194 : vector<32xf32> to vector<32x1xf32>
        %gt3A_1196 = vector.broadcast %broadcast_in_dim3A_1188 : vector<32x1xf32> to vector<32x640xf32>
        %gt3A_1197 = arith.cmpf ogt, %slice3A_926, %gt3A_1196 : vector<32x640xf32>
        %broadcast_in_dim3A_1198 = vector.broadcast %scan3A : f32 to vector<32x640xf32>
        %select_n3A_1199 = arith.select %gt3A_1197, %slice3A_926, %broadcast_in_dim3A_1198 : vector<32x640xi1>, vector<32x640xf32>
        %reduce_min3A_1200 = arith.constant dense<0x7F800000> : vector<32xf32>
        %reduce_min3A_1201 = vector.multi_reduction <minimumf>, %select_n3A_1199, %reduce_min3A_1200 [1] : vector<32x640xf32> to vector<32xf32>
        %broadcast_in_dim3A_1202 = vector.shape_cast %reduce_min3A_1201 : vector<32xf32> to vector<32x1xf32>
        %eq3A_1203 = vector.broadcast %broadcast_in_dim3A_1202 : vector<32x1xf32> to vector<32x640xf32>
        %eq3A_1204 = arith.cmpf oeq, %select_n3A_1199, %eq3A_1203 : vector<32x640xf32>
        %broadcast_in_dim3A_1205 = vector.broadcast %scan3A_10 : f32 to vector<32x640xf32>
        %select_n3A_1206 = arith.select %eq3A_1204, %slice3A_927, %broadcast_in_dim3A_1205 : vector<32x640xi1>, vector<32x640xf32>
        %reduce_min3A_1207 = arith.constant dense<0x7F800000> : vector<32xf32>
        %reduce_min3A_1208 = vector.multi_reduction <minimumf>, %select_n3A_1206, %reduce_min3A_1207 [1] : vector<32x640xf32> to vector<32xf32>
        %broadcast_in_dim3A_1209 = vector.shape_cast %reduce_min3A_1208 : vector<32xf32> to vector<32x1xf32>
        %broadcast_in_dim3A_1210 = vector.broadcast %scan3A : f32 to vector<32x108xf32>
        %broadcast_in_dim3A_1211 = vector.broadcast %scan3A_10 : f32 to vector<32x108xf32>
        %concatenate3A_1212 = tpu.concatenate %broadcast_in_dim3A_936, %broadcast_in_dim3A_950, %broadcast_in_dim3A_964, %broadcast_in_dim3A_978, %broadcast_in_dim3A_992, %broadcast_in_dim3A_1006, %broadcast_in_dim3A_1020, %broadcast_in_dim3A_1034, %broadcast_in_dim3A_1048, %broadcast_in_dim3A_1062, %broadcast_in_dim3A_1076, %broadcast_in_dim3A_1090, %broadcast_in_dim3A_1104, %broadcast_in_dim3A_1118, %broadcast_in_dim3A_1132, %broadcast_in_dim3A_1146, %broadcast_in_dim3A_1160, %broadcast_in_dim3A_1174, %broadcast_in_dim3A_1188, %broadcast_in_dim3A_1202, %broadcast_in_dim3A_1210 in 1 : vector<32x1xf32>, vector<32x1xf32>, vector<32x1xf32>, vector<32x1xf32>, vector<32x1xf32>, vector<32x1xf32>, vector<32x1xf32>, vector<32x1xf32>, vector<32x1xf32>, vector<32x1xf32>, vector<32x1xf32>, vector<32x1xf32>, vector<32x1xf32>, vector<32x1xf32>, vector<32x1xf32>, vector<32x1xf32>, vector<32x1xf32>, vector<32x1xf32>, vector<32x1xf32>, vector<32x1xf32>, vector<32x108xf32> -> vector<32x128xf32>
        %concatenate3A_1213 = tpu.concatenate %broadcast_in_dim3A_943, %broadcast_in_dim3A_957, %broadcast_in_dim3A_971, %broadcast_in_dim3A_985, %broadcast_in_dim3A_999, %broadcast_in_dim3A_1013, %broadcast_in_dim3A_1027, %broadcast_in_dim3A_1041, %broadcast_in_dim3A_1055, %broadcast_in_dim3A_1069, %broadcast_in_dim3A_1083, %broadcast_in_dim3A_1097, %broadcast_in_dim3A_1111, %broadcast_in_dim3A_1125, %broadcast_in_dim3A_1139, %broadcast_in_dim3A_1153, %broadcast_in_dim3A_1167, %broadcast_in_dim3A_1181, %broadcast_in_dim3A_1195, %broadcast_in_dim3A_1209, %broadcast_in_dim3A_1211 in 1 : vector<32x1xf32>, vector<32x1xf32>, vector<32x1xf32>, vector<32x1xf32>, vector<32x1xf32>, vector<32x1xf32>, vector<32x1xf32>, vector<32x1xf32>, vector<32x1xf32>, vector<32x1xf32>, vector<32x1xf32>, vector<32x1xf32>, vector<32x1xf32>, vector<32x1xf32>, vector<32x1xf32>, vector<32x1xf32>, vector<32x1xf32>, vector<32x1xf32>, vector<32x1xf32>, vector<32x1xf32>, vector<32x108xf32> -> vector<32x128xf32>
        %concatenate3A_1214 = tpu.concatenate %concatenate3A_348, %concatenate3A_636, %concatenate3A_924, %concatenate3A_1212 in 0 : vector<32x128xf32>, vector<32x128xf32>, vector<32x128xf32>, vector<32x128xf32> -> vector<128x128xf32>
        %concatenate3A_1215 = tpu.concatenate %concatenate3A_349, %concatenate3A_637, %concatenate3A_925, %concatenate3A_1213 in 0 : vector<32x128xf32>, vector<32x128xf32>, vector<32x128xf32>, vector<32x128xf32> -> vector<128x128xf32>
        scf.yield %concatenate3A_1214, %concatenate3A_1215 : vector<128x128xf32>, vector<128x128xf32>
      } else {
        scf.yield %scan3A_26, %scan3A_27 : vector<128x128xf32>, vector<128x128xf32>
      }
      scf.yield %cond3A_34#0, %cond3A_34#1 : vector<128x128xf32>, vector<128x128xf32>
    }
    %scan3A_16 = arith.constant 20 : i32
    %slice3A = vector.extract_strided_slice %scan3A_15#1 {offsets = [0, 0], sizes = [128, 20], strides = [1, 1]} : vector<128x128xf32> to vector<128x20xf32>
    %min3A = arith.constant 1.024000e+04 : f32
    %min3A_17 = vector.broadcast %min3A : f32 to vector<128x20xf32>
    %min3A_18 = arith.minimumf %slice3A, %min3A_17 : vector<128x20xf32>
    %convert_element_type3A = arith.fptosi %min3A_18 : vector<128x20xf32> to vector<128x20xi32>
    %jit3A = arith.constant 0 : i32
    %jit3A_19 = arith.constant 10239 : i32
    %max3A = vector.broadcast %jit3A : i32 to vector<128x20xi32>
    %max3A_20 = arith.maxsi %max3A, %convert_element_type3A : vector<128x20xi32>
    %min3A_21 = vector.broadcast %jit3A_19 : i32 to vector<128x20xi32>
    %min3A_22 = arith.minsi %min3A_21, %max3A_20 : vector<128x20xi32>
    %swap3A = arith.constant 0 : index
    %swap3A_23 = arith.constant 0 : index
    %swap3A_24 = vector.load %arg6[%swap3A, %swap3A_23] : memref<128x20xi32, #tpu.memory_space<vmem>>, vector<128x20xi32>
    tpu.vector_store %arg6[%swap3A, %swap3A_23], %min3A_22 {strides = array<i32>} : memref<128x20xi32, #tpu.memory_space<vmem>>, vector<128x20xi32>,
    return
  }
  func.func @transform_0(%arg0: i32) -> (i32, i32) {
    %c0_i32 = arith.constant 0 : i32
    %c0_i32_0 = arith.constant 0 : i32
    return %arg0, %c0_i32 : i32, i32
  }
  func.func @transform_1(%arg0: i32) -> (i32, i32) {
    %c0_i32 = arith.constant 0 : i32
    %c0_i32_0 = arith.constant 0 : i32
    %c0_i32_1 = arith.constant 0 : i32
    return %c0_i32, %c0_i32_0 : i32, i32
  }
  func.func @transform_2(%arg0: i32) -> (i32, i32) {
    %c0_i32 = arith.constant 0 : i32
    %c0_i32_0 = arith.constant 0 : i32
    return %arg0, %c0_i32 : i32, i32
  }
  func.func @transform_3(%arg0: i32) -> (i32, i32) {
    %c0_i32 = arith.constant 0 : i32
    %c0_i32_0 = arith.constant 0 : i32
    %c0_i32_1 = arith.constant 0 : i32
    return %c0_i32, %c0_i32_0 : i32, i32
  }
  func.func @transform_4(%arg0: i32) -> (i32, i32) {
    %c0_i32 = arith.constant 0 : i32
    %c0_i32_0 = arith.constant 0 : i32
    %c0_i32_1 = arith.constant 0 : i32
    return %c0_i32, %c0_i32_0 : i32, i32
  }
  func.func @transform_5(%arg0: i32) -> (i32, i32) {
    %c0_i32 = arith.constant 0 : i32
    %c0_i32_0 = arith.constant 0 : i32
    return %arg0, %c0_i32 : i32, i32
  }
}

module attributes {stable_mosaic.version = 14 : i64} {
  func.func @_prep_body(%arg0: i32, %arg1: memref<1024x256xf32, #tpu.memory_space<vmem>>, %arg2: memref<512x256xf32, #tpu.memory_space<vmem>>, %arg3: memref<1x256xf32, #tpu.memory_space<vmem>>, %arg4: memref<1024x256xf32, #tpu.memory_space<vmem>>, %arg5: memref<1024x256xf32, #tpu.memory_space<vmem>>) attributes {dimension_semantics = [#tpu.dimension_semantics<arbitrary>], iteration_bounds = array<i64: 10>, scalar_prefetch = 0 : i64, scratch_operands = 0 : i64, tpu.core_type = #tpu.core_type<tc>, window_params = [{transform_indices = @transform_0, window_bounds = array<i64: 1024, 256>}, {pipeline_mode = #tpu.pipeline_mode<synchronous>, transform_indices = @transform_1, window_bounds = array<i64: 512, 256>}, {pipeline_mode = #tpu.pipeline_mode<synchronous>, transform_indices = @transform_2, window_bounds = array<i64: 1, 256>}, {transform_indices = @transform_3, window_bounds = array<i64: 1024, 256>}, {transform_indices = @transform_4, window_bounds = array<i64: 1024, 256>}]} {
    %get3A = arith.constant 0 : index
    %get3A_0 = arith.constant 0 : index
    %get3A_1 = vector.load %arg1[%get3A, %get3A_0] : memref<1024x256xf32, #tpu.memory_space<vmem>>, vector<1024x256xf32>
    %get3A_2 = arith.constant 0 : index
    %get3A_3 = arith.constant 0 : index
    %get3A_4 = vector.load %arg2[%get3A_2, %get3A_3] : memref<512x256xf32, #tpu.memory_space<vmem>>, vector<512x256xf32>
    %slice3A = vector.extract_strided_slice %get3A_4 {offsets = [256, 0], sizes = [256, 256], strides = [1, 1]} : vector<512x256xf32> to vector<256x256xf32>
    %slice3A_5 = vector.extract_strided_slice %get3A_4 {offsets = [0, 0], sizes = [256, 256], strides = [1, 1]} : vector<512x256xf32> to vector<256x256xf32>
    %sub3A = arith.subf %slice3A_5, %slice3A : vector<256x256xf32>
    %dot_general3A = arith.constant dense<0.000000e+00> : vector<1024x256xf32>
    %dot_general3A_6 = tpu.matmul %get3A_1, %sub3A, %dot_general3A {dimension_numbers = #tpu.dot_dimension_numbers<[1], [0], [0], [1], [0, 0, 1, 1], [], []>, transpose_lhs_hint = false} : vector<1024x256xf32>, vector<256x256xf32>, vector<1024x256xf32> -> vector<1024x256xf32>
    %get3A_7 = arith.constant 0 : index
    %get3A_8 = arith.constant 0 : index
    %get3A_9 = vector.load %arg3[%get3A_7, %get3A_8] : memref<1x256xf32, #tpu.memory_space<vmem>>, vector<1x256xf32>
    %add3A = vector.broadcast %get3A_9 : vector<1x256xf32> to vector<1024x256xf32>
    %add3A_10 = arith.addf %dot_general3A_6, %add3A : vector<1024x256xf32>
    %swap3A = arith.constant 0 : index
    %swap3A_11 = arith.constant 0 : index
    %swap3A_12 = vector.load %arg4[%swap3A, %swap3A_11] : memref<1024x256xf32, #tpu.memory_space<vmem>>, vector<1024x256xf32>
    tpu.vector_store %arg4[%swap3A, %swap3A_11], %add3A_10 {strides = array<i32>} : memref<1024x256xf32, #tpu.memory_space<vmem>>, vector<1024x256xf32>,
    %dot_general3A_13 = arith.constant dense<0.000000e+00> : vector<1024x256xf32>
    %dot_general3A_14 = tpu.matmul %get3A_1, %slice3A, %dot_general3A_13 {dimension_numbers = #tpu.dot_dimension_numbers<[1], [0], [0], [1], [0, 0, 1, 1], [], []>, transpose_lhs_hint = false} : vector<1024x256xf32>, vector<256x256xf32>, vector<1024x256xf32> -> vector<1024x256xf32>
    %swap3A_15 = arith.constant 0 : index
    %swap3A_16 = arith.constant 0 : index
    %swap3A_17 = vector.load %arg5[%swap3A_15, %swap3A_16] : memref<1024x256xf32, #tpu.memory_space<vmem>>, vector<1024x256xf32>
    tpu.vector_store %arg5[%swap3A_15, %swap3A_16], %dot_general3A_14 {strides = array<i32>} : memref<1024x256xf32, #tpu.memory_space<vmem>>, vector<1024x256xf32>,
    return
  }
  func.func @transform_0(%arg0: i32) -> (i32, i32) {
    %c0_i32 = arith.constant 0 : i32
    %c0_i32_0 = arith.constant 0 : i32
    return %arg0, %c0_i32 : i32, i32
  }
  func.func @transform_1(%arg0: i32) -> (i32, i32) {
    %c0_i32 = arith.constant 0 : i32
    %c0_i32_0 = arith.constant 0 : i32
    %c0_i32_1 = arith.constant 0 : i32
    return %c0_i32, %c0_i32_0 : i32, i32
  }
  func.func @transform_2(%arg0: i32) -> (i32, i32) {
    %c0_i32 = arith.constant 0 : i32
    %c0_i32_0 = arith.constant 0 : i32
    %c0_i32_1 = arith.constant 0 : i32
    return %c0_i32, %c0_i32_0 : i32, i32
  }
  func.func @transform_3(%arg0: i32) -> (i32, i32) {
    %c0_i32 = arith.constant 0 : i32
    %c0_i32_0 = arith.constant 0 : i32
    return %arg0, %c0_i32 : i32, i32
  }
  func.func @transform_4(%arg0: i32) -> (i32, i32) {
    %c0_i32 = arith.constant 0 : i32
    %c0_i32_0 = arith.constant 0 : i32
    return %arg0, %c0_i32 : i32, i32
  }
}

module attributes {stable_mosaic.version = 14 : i64} {
  func.func @_mlp_body(%arg0: i32, %arg1: memref<128x256xf32, #tpu.memory_space<vmem>>, %arg2: memref<20x128x256xf32, #tpu.memory_space<vmem>>, %arg3: memref<128x256xf32, #tpu.memory_space<vmem>>, %arg4: memref<256x256xf32, #tpu.memory_space<vmem>>, %arg5: memref<1x256xf32, #tpu.memory_space<vmem>>, %arg6: memref<1x256xf32, #tpu.memory_space<vmem>>, %arg7: memref<1x256xf32, #tpu.memory_space<vmem>>, %arg8: memref<1x256xf32, #tpu.memory_space<vmem>>, %arg9: memref<1x256xf32, #tpu.memory_space<vmem>>, %arg10: memref<128x256xf32, #tpu.memory_space<vmem>>) attributes {dimension_semantics = [#tpu.dimension_semantics<arbitrary>], iteration_bounds = array<i64: 80>, scalar_prefetch = 0 : i64, scratch_operands = 0 : i64, tpu.core_type = #tpu.core_type<tc>, window_params = [{transform_indices = @transform_0, window_bounds = array<i64: 128, 256>}, {transform_indices = @transform_1, window_bounds = array<i64: 20, 128, 256>}, {transform_indices = @transform_2, window_bounds = array<i64: 128, 256>}, {pipeline_mode = #tpu.pipeline_mode<synchronous>, transform_indices = @transform_3, window_bounds = array<i64: 256, 256>}, {pipeline_mode = #tpu.pipeline_mode<synchronous>, transform_indices = @transform_4, window_bounds = array<i64: 1, 256>}, {pipeline_mode = #tpu.pipeline_mode<synchronous>, transform_indices = @transform_5, window_bounds = array<i64: 1, 256>}, {pipeline_mode = #tpu.pipeline_mode<synchronous>, transform_indices = @transform_6, window_bounds = array<i64: 1, 256>}, {pipeline_mode = #tpu.pipeline_mode<synchronous>, transform_indices = @transform_7, window_bounds = array<i64: 1, 256>}, {pipeline_mode = #tpu.pipeline_mode<synchronous>, transform_indices = @transform_8, window_bounds = array<i64: 1, 256>}, {transform_indices = @transform_9, window_bounds = array<i64: 128, 256>}]} {
    %get3A = arith.constant 0 : index
    %get3A_0 = arith.constant 0 : index
    %get3A_1 = vector.load %arg1[%get3A, %get3A_0] : memref<128x256xf32, #tpu.memory_space<vmem>>, vector<128x256xf32>
    %get3A_2 = arith.constant 0 : index
    %get3A_3 = arith.constant 0 : index
    %get3A_4 = vector.load %arg4[%get3A_2, %get3A_3] : memref<256x256xf32, #tpu.memory_space<vmem>>, vector<256x256xf32>
    %get3A_5 = arith.constant 0 : index
    %get3A_6 = arith.constant 0 : index
    %get3A_7 = vector.load %arg6[%get3A_5, %get3A_6] : memref<1x256xf32, #tpu.memory_space<vmem>>, vector<1x256xf32>
    %get3A_8 = arith.constant 0 : index
    %get3A_9 = arith.constant 0 : index
    %get3A_10 = vector.load %arg7[%get3A_8, %get3A_9] : memref<1x256xf32, #tpu.memory_space<vmem>>, vector<1x256xf32>
    %get3A_11 = arith.constant 0 : index
    %get3A_12 = arith.constant 0 : index
    %get3A_13 = vector.load %arg5[%get3A_11, %get3A_12] : memref<1x256xf32, #tpu.memory_space<vmem>>, vector<1x256xf32>
    %get3A_14 = arith.constant 0 : index
    %get3A_15 = arith.constant 0 : index
    %get3A_16 = vector.load %arg8[%get3A_14, %get3A_15] : memref<1x256xf32, #tpu.memory_space<vmem>>, vector<1x256xf32>
    %get3A_17 = arith.constant 0 : index
    %get3A_18 = arith.constant 0 : index
    %get3A_19 = vector.load %arg9[%get3A_17, %get3A_18] : memref<1x256xf32, #tpu.memory_space<vmem>>, vector<1x256xf32>
    %get3A_20 = arith.constant 0 : index
    %get3A_21 = arith.constant 0 : index
    %get3A_22 = arith.constant 0 : index
    %get3A_23 = vector.load %arg2[%get3A_20, %get3A_21, %get3A_22] : memref<20x128x256xf32, #tpu.memory_space<vmem>>, vector<20x128x256xf32>
    %reshape3A = vector.shape_cast %get3A_23 : vector<20x128x256xf32> to vector<2560x256xf32>
    %tile3A = tpu.concatenate %get3A_1, %get3A_1, %get3A_1, %get3A_1, %get3A_1, %get3A_1, %get3A_1, %get3A_1, %get3A_1, %get3A_1, %get3A_1, %get3A_1, %get3A_1, %get3A_1, %get3A_1, %get3A_1, %get3A_1, %get3A_1, %get3A_1, %get3A_1 in 0 : vector<128x256xf32>, vector<128x256xf32>, vector<128x256xf32>, vector<128x256xf32>, vector<128x256xf32>, vector<128x256xf32>, vector<128x256xf32>, vector<128x256xf32>, vector<128x256xf32>, vector<128x256xf32>, vector<128x256xf32>, vector<128x256xf32>, vector<128x256xf32>, vector<128x256xf32>, vector<128x256xf32>, vector<128x256xf32>, vector<128x256xf32>, vector<128x256xf32>, vector<128x256xf32>, vector<128x256xf32> -> vector<2560x256xf32>
    %add3A = arith.addf %reshape3A, %tile3A : vector<2560x256xf32>
    %reduce_sum3A = arith.constant dense<0.000000e+00> : vector<2560xf32>
    %reduce_sum3A_24 = vector.multi_reduction <add>, %add3A, %reduce_sum3A [1] : vector<2560x256xf32> to vector<2560xf32>
    %broadcast_in_dim3A = vector.shape_cast %reduce_sum3A_24 : vector<2560xf32> to vector<2560x1xf32>
    %div3A = arith.constant 2.560000e+02 : f32
    %div3A_25 = vector.broadcast %div3A : f32 to vector<2560x1xf32>
    %div3A_26 = arith.divf %broadcast_in_dim3A, %div3A_25 : vector<2560x1xf32>
    %sub3A = vector.broadcast %div3A_26 : vector<2560x1xf32> to vector<2560x256xf32>
    %sub3A_27 = arith.subf %add3A, %sub3A : vector<2560x256xf32>
    %integer_pow3A = arith.mulf %sub3A_27, %sub3A_27 : vector<2560x256xf32>
    %reduce_sum3A_28 = arith.constant dense<0.000000e+00> : vector<2560xf32>
    %reduce_sum3A_29 = vector.multi_reduction <add>, %integer_pow3A, %reduce_sum3A_28 [1] : vector<2560x256xf32> to vector<2560xf32>
    %broadcast_in_dim3A_30 = vector.shape_cast %reduce_sum3A_29 : vector<2560xf32> to vector<2560x1xf32>
    %div3A_31 = arith.constant 2.560000e+02 : f32
    %div3A_32 = vector.broadcast %div3A_31 : f32 to vector<2560x1xf32>
    %div3A_33 = arith.divf %broadcast_in_dim3A_30, %div3A_32 : vector<2560x1xf32>
    %sub3A_34 = vector.broadcast %div3A_26 : vector<2560x1xf32> to vector<2560x256xf32>
    %sub3A_35 = arith.subf %add3A, %sub3A_34 : vector<2560x256xf32>
    %add3A_36 = arith.constant 9.99999974E-6 : f32
    %add3A_37 = vector.broadcast %add3A_36 : f32 to vector<2560x1xf32>
    %add3A_38 = arith.addf %div3A_33, %add3A_37 : vector<2560x1xf32>
    %sqrt3A = math.sqrt %add3A_38 : vector<2560x1xf32>
    %div3A_39 = vector.broadcast %sqrt3A : vector<2560x1xf32> to vector<2560x256xf32>
    %div3A_40 = arith.divf %sub3A_35, %div3A_39 : vector<2560x256xf32>
    %mul3A = vector.broadcast %get3A_7 : vector<1x256xf32> to vector<2560x256xf32>
    %mul3A_41 = arith.mulf %div3A_40, %mul3A : vector<2560x256xf32>
    %add3A_42 = vector.broadcast %get3A_10 : vector<1x256xf32> to vector<2560x256xf32>
    %add3A_43 = arith.addf %mul3A_41, %add3A_42 : vector<2560x256xf32>
    %max3A = arith.constant 0.000000e+00 : f32
    %max3A_44 = vector.broadcast %max3A : f32 to vector<2560x256xf32>
    %max3A_45 = arith.maximumf %add3A_43, %max3A_44 : vector<2560x256xf32>
    %dot_general3A = arith.constant dense<0.000000e+00> : vector<2560x256xf32>
    %dot_general3A_46 = tpu.matmul %max3A_45, %get3A_4, %dot_general3A {dimension_numbers = #tpu.dot_dimension_numbers<[1], [0], [0], [1], [0, 0, 1, 1], [], []>, transpose_lhs_hint = false} : vector<2560x256xf32>, vector<256x256xf32>, vector<2560x256xf32> -> vector<2560x256xf32>
    %add3A_47 = vector.broadcast %get3A_13 : vector<1x256xf32> to vector<2560x256xf32>
    %add3A_48 = arith.addf %dot_general3A_46, %add3A_47 : vector<2560x256xf32>
    %reduce_sum3A_49 = arith.constant dense<0.000000e+00> : vector<2560xf32>
    %reduce_sum3A_50 = vector.multi_reduction <add>, %add3A_48, %reduce_sum3A_49 [1] : vector<2560x256xf32> to vector<2560xf32>
    %broadcast_in_dim3A_51 = vector.shape_cast %reduce_sum3A_50 : vector<2560xf32> to vector<2560x1xf32>
    %div3A_52 = arith.constant 2.560000e+02 : f32
    %div3A_53 = vector.broadcast %div3A_52 : f32 to vector<2560x1xf32>
    %div3A_54 = arith.divf %broadcast_in_dim3A_51, %div3A_53 : vector<2560x1xf32>
    %sub3A_55 = vector.broadcast %div3A_54 : vector<2560x1xf32> to vector<2560x256xf32>
    %sub3A_56 = arith.subf %add3A_48, %sub3A_55 : vector<2560x256xf32>
    %integer_pow3A_57 = arith.mulf %sub3A_56, %sub3A_56 : vector<2560x256xf32>
    %reduce_sum3A_58 = arith.constant dense<0.000000e+00> : vector<2560xf32>
    %reduce_sum3A_59 = vector.multi_reduction <add>, %integer_pow3A_57, %reduce_sum3A_58 [1] : vector<2560x256xf32> to vector<2560xf32>
    %broadcast_in_dim3A_60 = vector.shape_cast %reduce_sum3A_59 : vector<2560xf32> to vector<2560x1xf32>
    %div3A_61 = arith.constant 2.560000e+02 : f32
    %div3A_62 = vector.broadcast %div3A_61 : f32 to vector<2560x1xf32>
    %div3A_63 = arith.divf %broadcast_in_dim3A_60, %div3A_62 : vector<2560x1xf32>
    %sub3A_64 = vector.broadcast %div3A_54 : vector<2560x1xf32> to vector<2560x256xf32>
    %sub3A_65 = arith.subf %add3A_48, %sub3A_64 : vector<2560x256xf32>
    %add3A_66 = arith.constant 9.99999974E-6 : f32
    %add3A_67 = vector.broadcast %add3A_66 : f32 to vector<2560x1xf32>
    %add3A_68 = arith.addf %div3A_63, %add3A_67 : vector<2560x1xf32>
    %sqrt3A_69 = math.sqrt %add3A_68 : vector<2560x1xf32>
    %div3A_70 = vector.broadcast %sqrt3A_69 : vector<2560x1xf32> to vector<2560x256xf32>
    %div3A_71 = arith.divf %sub3A_65, %div3A_70 : vector<2560x256xf32>
    %mul3A_72 = vector.broadcast %get3A_16 : vector<1x256xf32> to vector<2560x256xf32>
    %mul3A_73 = arith.mulf %div3A_71, %mul3A_72 : vector<2560x256xf32>
    %add3A_74 = vector.broadcast %get3A_19 : vector<1x256xf32> to vector<2560x256xf32>
    %add3A_75 = arith.addf %mul3A_73, %add3A_74 : vector<2560x256xf32>
    %max3A_76 = arith.constant 0.000000e+00 : f32
    %max3A_77 = vector.broadcast %max3A_76 : f32 to vector<2560x256xf32>
    %max3A_78 = arith.maximumf %add3A_75, %max3A_77 : vector<2560x256xf32>
    %reshape3A_79 = vector.shape_cast %max3A_78 : vector<2560x256xf32> to vector<20x128x256xf32>
    %reduce_max3A = arith.constant dense<0xFF800000> : vector<128x256xf32>
    %reduce_max3A_80 = vector.multi_reduction <maximumf>, %reshape3A_79, %reduce_max3A [0] : vector<20x128x256xf32> to vector<128x256xf32>
    %get3A_81 = arith.constant 0 : index
    %get3A_82 = arith.constant 0 : index
    %get3A_83 = vector.load %arg3[%get3A_81, %get3A_82] : memref<128x256xf32, #tpu.memory_space<vmem>>, vector<128x256xf32>
    %add3A_84 = arith.addf %reduce_max3A_80, %get3A_83 : vector<128x256xf32>
    %swap3A = arith.constant 0 : index
    %swap3A_85 = arith.constant 0 : index
    %swap3A_86 = vector.load %arg10[%swap3A, %swap3A_85] : memref<128x256xf32, #tpu.memory_space<vmem>>, vector<128x256xf32>
    tpu.vector_store %arg10[%swap3A, %swap3A_85], %add3A_84 {strides = array<i32>} : memref<128x256xf32, #tpu.memory_space<vmem>>, vector<128x256xf32>,
    return
  }
  func.func @transform_0(%arg0: i32) -> (i32, i32) {
    %c0_i32 = arith.constant 0 : i32
    %c0_i32_0 = arith.constant 0 : i32
    return %arg0, %c0_i32 : i32, i32
  }
  func.func @transform_1(%arg0: i32) -> (i32, i32, i32) {
    %c0_i32 = arith.constant 0 : i32
    %c0_i32_0 = arith.constant 0 : i32
    %c0_i32_1 = arith.constant 0 : i32
    return %c0_i32, %arg0, %c0_i32_0 : i32, i32, i32
  }
  func.func @transform_2(%arg0: i32) -> (i32, i32) {
    %c0_i32 = arith.constant 0 : i32
    %c0_i32_0 = arith.constant 0 : i32
    return %arg0, %c0_i32 : i32, i32
  }
  func.func @transform_3(%arg0: i32) -> (i32, i32) {
    %c0_i32 = arith.constant 0 : i32
    %c0_i32_0 = arith.constant 0 : i32
    %c0_i32_1 = arith.constant 0 : i32
    return %c0_i32, %c0_i32_0 : i32, i32
  }
  func.func @transform_4(%arg0: i32) -> (i32, i32) {
    %c0_i32 = arith.constant 0 : i32
    %c0_i32_0 = arith.constant 0 : i32
    %c0_i32_1 = arith.constant 0 : i32
    return %c0_i32, %c0_i32_0 : i32, i32
  }
  func.func @transform_5(%arg0: i32) -> (i32, i32) {
    %c0_i32 = arith.constant 0 : i32
    %c0_i32_0 = arith.constant 0 : i32
    %c0_i32_1 = arith.constant 0 : i32
    return %c0_i32, %c0_i32_0 : i32, i32
  }
  func.func @transform_6(%arg0: i32) -> (i32, i32) {
    %c0_i32 = arith.constant 0 : i32
    %c0_i32_0 = arith.constant 0 : i32
    %c0_i32_1 = arith.constant 0 : i32
    return %c0_i32, %c0_i32_0 : i32, i32
  }
  func.func @transform_7(%arg0: i32) -> (i32, i32) {
    %c0_i32 = arith.constant 0 : i32
    %c0_i32_0 = arith.constant 0 : i32
    %c0_i32_1 = arith.constant 0 : i32
    return %c0_i32, %c0_i32_0 : i32, i32
  }
  func.func @transform_8(%arg0: i32) -> (i32, i32) {
    %c0_i32 = arith.constant 0 : i32
    %c0_i32_0 = arith.constant 0 : i32
    %c0_i32_1 = arith.constant 0 : i32
    return %c0_i32, %c0_i32_0 : i32, i32
  }
  func.func @transform_9(%arg0: i32) -> (i32, i32) {
    %c0_i32 = arith.constant 0 : i32
    %c0_i32_0 = arith.constant 0 : i32
    return %arg0, %c0_i32 : i32, i32
  }
}

</mosaic_0001>

<sc_bundles>
// kernel: kernel.6.cloned.1.call-start
scs
__scs_entry_jumppad:
0x0: {  	(pc) =	sbr.rel $0x88, $3  }
0x1: {  	(tag) =	ssettag $0x0;
	lr =	simm.s32 $0x1  }
0x2: {  	[smem:$0x3F97] =	sst lr;
	_ =	strace $0xD0000000  }
0x3: {  	_ = 	snop  }
0x4: {  	_ = 	snop  }
0x5: {  	_ = 	snop  }
0x6: {  	_ = 	snop  }
0x7: {  	_ = 	snop  }
__scs_overlays_trampoline_lowered:
0x8: {  	[smem:$0x3FA6] =	sst s0  }
0x9: {  	[smem:$0x3FA7] =	sst s1  }
0xa: {  	[smem:$0x3FA8] =	sst s2  }
0xb: {  	[smem:$0x3FA9] =	sst s3  }
0xc: {  	[smem:$0x3FAA] =	sst s4  }
0xd: {  	[smem:$0x3FAB] =	sst s5  }
0xe: {  	[smem:$0x3FAC] =	sst s6  }
0xf: {  	[smem:$0x3FAD] =	sst s7  }
0x10: {  	[smem:$0x3FAE] =	sst s8  }
0x11: {  	[smem:$0x3FAF] =	sst s9;
	s0 =	simm.s32 @!p0 $0x0  }
0x12: {  	s1 =	sld [smem:$0x3F95];
	s0 =	simm.s32 @p0 $0x1  }
0x13: {  	[smem:$0x3FB0] =	sst s0;
	s0 =	simm.s32 @!p1 $0x0  }
0x14: {  	s2 =	sld [smem:$0x3F94];
	s0 =	simm.s32 @p1 $0x1  }
0x15: {  	[smem:$0x3FB1] =	sst s0;
	s0 =	simm.s32 @!p2 $0x0  }
0x16: {  	s3 =	sld [smem:$0x3FDB];
	s0 =	simm.s32 @p2 $0x1  }
0x17: {  	s4 =	simm.s32 $0x1BF5;
	[smem:$0x3FB3] =	sst s0  }
0x18: {  	s0 =	sld [smem:$0x3F96];
	_ =	swait.ge [sflag:s4], $0x0  }
0x19: {  	s7 =	sld [smem:$0x3F97]  }
0x1a: {  	s8 =	sadd.s32 $0xFFFFE003, lr  }
0x1b: {  	s9 =	sadd.s32 $0xFFFFFEF7, lr;
	s5 =	simm.s32 $0xFFFFFFFF;
	p2 =	slt.u32 s8, $0xFFFFF086  }
0x1c: {  	p1 =	slt.u32 s9, $0xF7A;
	s5 =	simm.s32 @!p2 $0x0  }
0x1d: {  	s5 =	simm.s32 @p1 $0x1;
	p0 =	seq.s32 s7, s2  }
0x1e: {  	s7 =	smul.u32 @!p0 $0xF7A, s2;
	p2 =	seq.s32 @!p0 s5, $0x0  }
0x1f: {  	s9 =	smul.u32 $0xF7A, s1;
	s8 =	simm.s32 @!p0 $0x1BF5;
	p2 =	por !p2, p0  }
0x20: {  	[sflag:s8] =	ssyncset.s32 @!p0 $0xFFFFF086;
	s6 =	sadd.s32 @!p0 s3, s7;
	s7 =	simm.s32 @!p0 $0x108  }
0x21: {  	s3 =	sadd.s32 s3, s9;
	s6 =	sadd.s32 @!p0 $0x88, s6;
	s7 =	simm.s32 @p2 $0x1082  }
0x22: {  	[simem:s7], [sflag:s8] =	dma.local @!p0 [hbm:s6], $0xF7A  }
0x23: {  	s9 =	sor.u32 $0xD0000000, s2;
	s6 =	simm.s32 $0x108;
	_ =	swait.ge @!p0 [sflag:s8], $0x0  }
0x24: {  	s3 =	sadd.s32 $0x88, s3;
	s6 =	simm.s32 @!p1 $0x1082;
	[sflag:s4] =	ssyncset.s32 $0xFFFFF086  }
0x25: {  	[simem:s6], [sflag:s4] =	dma.local [hbm:s3], $0xF7A  }
0x26: {  	[smem:$0x3F97] =	sst s1;
	(tag) =	ssettag s2;
	_ =	strace s9  }
0x27: {  	s1 =	sld [smem:$0x3FA7]  }
0x28: {  	s2 =	sld [smem:$0x3FA8]  }
0x29: {  	s4 =	sld [smem:$0x3FAA]  }
0x2a: {  	p0 =	seq.s32 s5, $0x0;
	s5 =	sld [smem:$0x3FAB]  }
0x2b: {  	s6 =	sld [smem:$0x3FAC]  }
0x2c: {  	s7 =	sld [smem:$0x3FAD]  }
0x2d: {  	s3 =	simm.s32 $0x108;
	s8 =	sld [smem:$0x3FAE]  }
0x2e: {  	s3 =	simm.s32 @!p0 $0x1082;
	s9 =	sld [smem:$0x3FAF]  }
0x2f: {  	lr =	sadd.s32 s0, s3;
	s0 =	sld [smem:$0x3FA6]  }
0x30: {  	s3 =	sld [smem:$0x3FA9]  }
0x31: {  	[smem:$0x3FB2] =	sst s10  }
0x32: {  	s10 =	sld [smem:$0x3FB0];
	_ =	sdelay $0x3  }
0x33: {  	p0 =	seq.s32 s10, $0x1;
	s10 =	sld [smem:$0x3FB2];
	_ =	sdelay $0x3  }
0x34: {  	[smem:$0x3FB2] =	sst s10  }
0x35: {  	s10 =	sld [smem:$0x3FB1];
	_ =	sdelay $0x3  }
0x36: {  	p1 =	seq.s32 s10, $0x1;
	s10 =	sld [smem:$0x3FB2];
	_ =	sdelay $0x3  }
0x37: {  	[smem:$0x3FB2] =	sst s10  }
0x38: {  	s10 =	sld [smem:$0x3FB3]  }
0x39: {  	_ = 	snop;
	(pc) =	sbr.ind lr, $3  }
0x3a: {  	_ = 	snop  }
0x3b: {  	_ = 	snop  }
0x3c: {  	p2 =	seq.s32 s10, $0x1;
	s10 =	sld [smem:$0x3FB2]  }
0x3d: {  	_ =	shalt  }
0x3e: {  	_ =	shalt  }
0x3f: {  	_ =	shalt  }
0x40: {  	_ =	shalt  }
0x41: {  	_ =	shalt  }
0x42: {  	_ =	shalt  }
0x43: {  	_ =	shalt  }
0x44: {  	_ =	shalt  }
0x45: {  	_ =	shalt  }
0x46: {  	_ =	shalt  }
0x47: {  	_ =	shalt  }
0x48: {  	_ =	shalt  }
0x49: {  	_ =	shalt  }
0x4a: {  	_ =	shalt  }
0x4b: {  	_ =	shalt  }
0x4c: {  	_ =	shalt  }
0x4d: {  	_ =	shalt  }
0x4e: {  	_ =	shalt  }
0x4f: {  	_ =	shalt  }
0x50: {  	_ =	shalt  }
0x51: {  	_ =	shalt  }
0x52: {  	_ =	shalt  }
0x53: {  	_ =	shalt  }
0x54: {  	_ =	shalt  }
0x55: {  	_ =	shalt  }
0x56: {  	_ =	shalt  }
0x57: {  	_ =	shalt  }
0x58: {  	_ =	shalt  }
0x59: {  	_ =	shalt  }
0x5a: {  	_ =	shalt  }
0x5b: {  	_ =	shalt  }
0x5c: {  	_ =	shalt  }
0x5d: {  	_ =	shalt  }
0x5e: {  	_ =	shalt  }
0x5f: {  	_ =	shalt  }
0x60: {  	_ =	shalt  }
0x61: {  	_ =	shalt  }
0x62: {  	_ =	shalt  }
0x63: {  	_ =	shalt  }
0x64: {  	_ =	shalt  }
0x65: {  	_ =	shalt  }
0x66: {  	_ =	shalt  }
0x67: {  	_ =	shalt  }
0x68: {  	_ =	shalt  }
0x69: {  	_ =	shalt  }
0x6a: {  	_ =	shalt  }
0x6b: {  	_ =	shalt  }
0x6c: {  	_ =	shalt  }
0x6d: {  	_ =	shalt  }
0x6e: {  	_ =	shalt  }
0x6f: {  	_ =	shalt  }
0x70: {  	_ =	shalt  }
0x71: {  	_ =	shalt  }
0x72: {  	_ =	shalt  }
0x73: {  	_ =	shalt  }
0x74: {  	_ =	shalt  }
0x75: {  	_ =	shalt  }
0x76: {  	_ =	shalt  }
0x77: {  	_ =	shalt  }
0x78: {  	_ =	shalt  }
0x79: {  	_ =	shalt  }
0x7a: {  	_ =	shalt  }
0x7b: {  	_ =	shalt  }
0x7c: {  	_ =	shalt  }
0x7d: {  	_ =	shalt  }
0x7e: {  	_ =	shalt  }
0x7f: {  	_ =	shalt  }
0x80: {  	_ =	shalt  }
0x81: {  	_ =	shalt  }
0x82: {  	_ =	shalt  }
0x83: {  	_ =	shalt  }
0x84: {  	_ =	shalt  }
0x85: {  	_ =	shalt  }
0x86: {  	_ =	shalt  }
0x87: {  	_ =	shalt  }
.Lfunc_end0:
.L_simem_size_0:
called_computation_lowered:
.L_overlay_start_0:
0x88: {  	s2 =	sld [smem:$0x3FD9]  }
0x89: {  	s3 =	sld [smem:$0x3FFE];
	_ =	sdelay $0x1  }
0x8a: {  	s1 =	srdreg.scid  }
0x8b: {  	s0 =	sand.u32 $0x1, s1  }
0x8c: {  	s17 =	sshll.u32 s0, $0xA;
	s2 =	sadd.s32 s3, s2  }
0x8d: {  	s2 =	sadd.s32 s2, s17  }
0x8e: {  	[smem:$0x3FBE] =	sst s2  }
0x8f: {  	_ = 	snop  }
0x90: {  	s2 =	sld [smem:$0x3FD0];
	(tm) =	ssettm $0x1  }
0x91: {  	s18 =	sld [smem:$0x3FFB];
	_ =	sdelay $0x3  }
0x92: {  	_ =	strace s18  }
0x93: {  	s3 =	sld [smem:$0x3FFC];
	_ =	sdelay $0x3  }
0x94: {  	_ =	strace s3  }
0x95: {  	s3 =	sld [smem:$0x3FFD];
	_ =	sdelay $0x3  }
0x96: {  	_ =	strace s3  }
0x97: {  	_ =	strace $0x8FFFFFFF  }
0x98: {  	s19 =	sld [smem:$0x3FDB];
	_ =	sdelay $0x1  }
0x99: {  	s4 =	simm.s32 $_scs_section_size  }
0x9a: {  	s5 =	simm.s32 $_size__tile_overlayer_lowered;
	s6 =	simm.s32 $_tile_overlayer_lowered  }
0x9b: {  	s22 =	simm.s32 $0x1BFF;
	s21 =	sshll.u32 s6, $0x1;
	s3 =	sadd.s32 s4, s19  }
0x9c: {  	s7 =	simm.s32 $0x0;
	s20 =	sshll.u32 s5, $0x1;
	s5 =	sadd.s32 s21, s3  }
0x9d: {  	[timem:s7], [sflag:s22] =	dma.local [hbm:s5], s20  }
0x9e: {  	_ =	swait.ge [sflag:s22], s20  }
0x9f: {  	s4 =	ssub.s32 $0x0, s20;
	[sflag:s22] =	ssyncset.done $0x0  }
0xa0: {  	[sflag:s22] =	ssyncadd.s32 s4;
	_ =	sdelay $0x1  }
0xa1: {  	s23 =	simm.s32 $0x1B8B  }
0xa2: {  	_ =	swait.ge [sflag:s23], $0x1  }
0xa3: {  	[sflag:s23] =	ssyncset.done $0x0  }
0xa4: {  	s25 =	simm.s32 $0x1B8E;
	s24 =	sld [smem:$0x3FFE];
	[sflag:s23] =	ssyncadd.s32 $0xFFFFFFFF  }
0xa5: {  	s26 =	simm.s32 $execute0_lowered;
	[smem:$0x3FD2] =	sst s25  }
0xa6: {  	s5 =	sshll.u32 s26, $0x1;
	_ =	strace $0x80000046;
	[dreg:$0x1] =	wrdreg $0xFFFFFFFF  }
0xa7: {  	s28 =	simm.s32 $_size_execute0_lowered;
	s3 =	sadd.s32 s3, s5;
	[dreg:$0x0] =	wrdreg $0x0  }
0xa8: {  	s5 =	sshll.u32 s28, $0x1;
	[dreg:$0x2] =	wrdreg s3  }
0xa9: {  	[dreg:$0x3] =	wrdreg s5  }
0xaa: {  	[dreg:$0x4] =	wrdreg $0xC0  }
0xab: {  	_ =	task [dreg:s7], $0x5FFFF  }
0xac: {  	[dreg:$0x1] =	wrdreg $0xFFFFFFFF  }
0xad: {  	[dreg:$0x0] =	wrdreg $0x60  }
0xae: {  	[dreg:$0x2] =	wrdreg s2  }
0xaf: {  	[dreg:$0x3] =	wrdreg s24  }
0xb0: {  	[dreg:$0x4] =	wrdreg $0x9  }
0xb1: {  	_ =	task.clear_ibuf [dreg:s7], $0x5FFFF;
	_ =	strace $0x90000046  }
0xb2: {  	s29 =	simm.s32 $0x9;
	_ =	strace $0x80000048  }
0xb3: {  	_ =	swait.ge [sflag:s29], $0x1  }
0xb4: {  	[sflag:s29] =	ssyncadd.s32 $0xFFFFFFFF  }
0xb5: {  	_ =	strace $0x90000048  }
0xb6: {  	_ =	sfence  }
0xb7: {  	s30 =	sld [smem:$0x0];
	_ =	sdelay $0x2  }
0xb8: {  	s31 =	sshll.u32 s1, $0xD;
	s1 =	sshrl.u32 s1, $0x2  }
0xb9: {  	s3 =	sand.u32 $0x4000, s31;
	s1 =	sadd.s32 s1, s30  }
0xba: {  	s0 =	sor.u32 s3, s0;
	s1 =	sshll.u32 s1, $0x11  }
0xbb: {  	s0 =	sor.u32 s1, s0  }
0xbc: {  	s0 =	sadd.s32 $0x8F2B, s0  }
0xbd: {  	[sflag:s0] =	ssyncadd.remote.s32 $0x1  }
0xbe: {  	_ =	sfence.sel $0xFFFF  }
0xbf: {  	[dreg:$0x0] =	wrdreg $0xFFFFFFFF;
	(pc) =	sbr.abs _section_cstart, $3  }
0xc0: {  	[dreg:$0x1] =	wrdreg $0xFFFFFFFF  }
0xc1: {  	_ =	task.clear_ibuf [dreg:s7], $0x2FFFF;
	_ =	strace $0x9FFFFFFF  }
0xc2: {  	(tm) =	ssettm $0x7FFFFFFF  }
0xc3: {  	_ =	shalt  }
tec
execute0_lowered:
.L_overlay_start_1:
0x0: {  	(tag) =	ssettag $0x1  }
0x1: {  	s5 =	rddreg [dreg:$0x0]  }
0x2: {  	s7 =	rddreg [dreg:$0x1];
	s2 =	simm.s32 $0x0  }
0x3: {  	s12 =	simm.s32 $0x900;
	[smem:$0x7FF] =	sst s2  }
0x4: {  	s13 =	simm.s32 $0x1100;
	_ =	strace $0x80000047;
	[dreg:$0x5] =	wrdreg s12  }
0x5: {  	s14 =	simm.s32 $0x1900;
	[dreg:$0x6] =	wrdreg s13  }
0x6: {  	s0 =	stileid.u32;
	s15 =	simm.s32 $0x2100;
	[dreg:$0x7] =	wrdreg s14  }
0x7: {  	s1 =	srdreg.scid;
	s17 =	simm.s32 $0x2900;
	[dreg:$0x8] =	wrdreg s15  }
0x8: {  	s18 =	simm.s32 $0x3100;
	s19 =	simm.s32 $0x3900;
	[dreg:$0x9] =	wrdreg s17  }
0x9: {  	s21 =	simm.s32 $0x4100;
	s22 =	simm.s32 $0x4900;
	[dreg:$0xa] =	wrdreg s18  }
0xa: {  	s23 =	simm.s32 $0x5100;
	s25 =	simm.s32 $0x5900;
	[dreg:$0xb] =	wrdreg s19  }
0xb: {  	s26 =	simm.s32 $0x6100;
	s30 =	simm.s32 $0x6900;
	[dreg:$0xc] =	wrdreg s21  }
0xc: {  	s31 =	simm.s32 $0x7100;
	s9 =	simm.s32 $0x80;
	[dreg:$0xd] =	wrdreg s22  }
0xd: {  	s10 =	simm.s32 $0x8100;
	s11 =	simm.s32 $0x8900;
	[dreg:$0xe] =	wrdreg s23  }
0xe: {  	s28 =	simm.s32 $0x2;
	s3 =	smul.u32 $0x3200, s0;
	[dreg:$0xf] =	wrdreg s25  }
0xf: {  	s4 =	sand.u32 $0x1, s1;
	s16 =	smul.u32 $0x64000, s0;
	[dreg:$0x10] =	wrdreg s26  }
0x10: {  	s29 =	simm.s32 $0x0;
	s6 =	smul.u32 $0x1900, s4;
	[dreg:$0x11] =	wrdreg s30  }
0x11: {  	s20 =	ssub.s32 $0x2, s4;
	s24 =	smul.u32 $0x32000, s4;
	[dreg:$0x12] =	wrdreg s31  }
0x12: {  	s12 =	simm.s32 $0x9100;
	s13 =	simm.s32 $0x9900;
	s14 =	simm.s32 $0xA100  }
0x13: {  	s15 =	simm.s32 $0xA900;
	s17 =	simm.s32 $0xB900;
	s18 =	simm.s32 $0xC100  }
0x14: {  	s19 =	simm.s32 $0xC900;
	s21 =	simm.s32 $0xD900;
	s22 =	simm.s32 $0xE100  }
0x15: {  	s23 =	simm.s32 $0xE900;
	s25 =	simm.s32 $0xF900;
	s3 =	sadd.s32 s6, s3  }
0x16: {  	s26 =	simm.s32 $0x1;
	s6 =	sshrl.u32 s3, $0x3;
	s3 =	sor.u32 $0x80, s3  }
0x17: {  	s8 =	sshrl.u32 s20, $0x1;
	s6 =	sadd.s32 s6, s5;
	s3 =	sshrl.u32 s3, $0x3  }
0x18: {  	[dreg:$0x3] =	wrdreg s6;
	s3 =	sadd.s32 s3, s5;
	s5 =	sadd.s32 s16, s7  }
0x19: {  	s6 =	simm.s32 $0x3;
	s16 =	simm.s32 $0xB100;
	[dreg:$0x4] =	wrdreg s3  }
0x1a: {  	v2 =	vlaneseq.u32;
	s3 =	sadd.s32 $0x50E00, s7;
	s7 =	ssub.s32 s20, s8;
	s5 =	sadd.s32 s24, s5  }
0x1b: {  	vm0 =	vmmov $0xffff;
	v1 =	vshrl.u32 v2, $0x3;
	s8 =	simm.s32 $0x7900;
	s20 =	simm.s32 $0xD100;
	s24 =	simm.s32 $0xF100  }
0x1c: {  	v0 =	vand.u32 $0x7, v2;
	v2 =	vor.u32 $0x8, v2;
	v1 =	vmul.u32 $0x8, v1;
	s4 =	smax.u32 s7, $0x1;
	s5 =	sadd.s32 $0xF0E00, s5;
	s7 =	simm.s32 $0x100  }
.LBB2_1:
0x1d: {  	s30 =	smov.u32 s5;
	s31 =	simm.s32 $0x0  }
.LBB2_2:
0x1e: {  	s1 =	rddreg [dreg:$0x3]  }
0x1f: {  	s1 =	sadd.s32 s31, s1  }
0x20: {  	[tilespmem:s2], [sflag:$0x3] =	stream.linear.gather [hbm4b:s1+s2], $0x80, $0x38;
	[tilespmem:$0x10100] =	vst v63  }
0x21: {  	_ =	swait.ge [sflag:s6], $0x80  }
0x22: {  	[sflag:s6] =	ssyncset.done $0x0  }
0x23: {  	[sflag:s6] =	ssyncadd.s32 $0xFFFFFF80  }
0x24: {  	v3 =	vld [tilespmem:$0x0];
	_ =	sdelay $0x4  }
0x25: {  	v4 =	vshll.u32 v3, $0x1  }
0x26: {  	v3 =	vand.u32 $0x7, v3;
	v4 =	vand.u32 $0xFFFFFFF0, v4  }
0x27: {  	v3 =	vor.u32 v3, v4  }
0x28: {  	v4 =	vperm.xlane v3, v0;
	_ =	sdelay $0x1  }
0x29: {  	v3 =	vperm.xlane v3, v2;
	v4 =	vadd.s32 v1, v4;
	_ =	sdelay $0x1  }
0x2a: {  	v3 =	vadd.s32 v1, v3;
	_ =	sdelay $0x2  }
0x2b: {  	[tilespmem:s7], [sflag:$0x1] =	stream.indirect_vreg.gather [hbm4b:s3+s2], $0x80, v4, vm0, $0xb8;
	[tilespmem:$0x10100] =	vst v63  }
0x2c: {  	s0 =	rddreg [dreg:$0x5]  }
0x2d: {  	[tilespmem:s0], [sflag:$0x1] =	stream.indirect_vreg.gather [hbm4b:s3+s2], $0x80, v3, vm0, $0xb8;
	[tilespmem:$0x10100] =	vst v63  }
0x2e: {  	v3 =	vld [tilespmem:$0x10];
	_ =	sdelay $0x4  }
0x2f: {  	v49 =	vshll.u32 v3, $0x1  }
0x30: {  	v3 =	vand.u32 $0x7, v3;
	v4 =	vand.u32 $0xFFFFFFF0, v49  }
0x31: {  	v3 =	vor.u32 v3, v4  }
0x32: {  	v4 =	vperm.xlane v3, v0;
	_ =	sdelay $0x1  }
0x33: {  	v3 =	vperm.xlane v3, v2;
	v4 =	vadd.s32 v1, v4;
	_ =	sdelay $0x1  }
0x34: {  	v3 =	vadd.s32 v1, v3;
	_ =	sdelay $0x1  }
0x35: {  	s1 =	rddreg [dreg:$0x6]  }
0x36: {  	[tilespmem:s1], [sflag:$0x1] =	stream.indirect_vreg.gather [hbm4b:s3+s2], $0x80, v4, vm0, $0xb8;
	[tilespmem:$0x10100] =	vst v63  }
0x37: {  	s0 =	rddreg [dreg:$0x7]  }
0x38: {  	[tilespmem:s0], [sflag:$0x1] =	stream.indirect_vreg.gather [hbm4b:s3+s2], $0x80, v3, vm0, $0xb8;
	[tilespmem:$0x10100] =	vst v63  }
0x39: {  	v3 =	vld [tilespmem:$0x20];
	_ =	sdelay $0x4  }
0x3a: {  	v50 =	vshll.u32 v3, $0x1  }
0x3b: {  	v3 =	vand.u32 $0x7, v3;
	v4 =	vand.u32 $0xFFFFFFF0, v50  }
0x3c: {  	v3 =	vor.u32 v3, v4  }
0x3d: {  	v4 =	vperm.xlane v3, v0;
	_ =	sdelay $0x1  }
0x3e: {  	v3 =	vperm.xlane v3, v2;
	v4 =	vadd.s32 v1, v4;
	_ =	sdelay $0x1  }
0x3f: {  	v3 =	vadd.s32 v1, v3;
	_ =	sdelay $0x1  }
0x40: {  	s0 =	rddreg [dreg:$0x8]  }
0x41: {  	[tilespmem:s0], [sflag:$0x1] =	stream.indirect_vreg.gather [hbm4b:s3+s2], $0x80, v4, vm0, $0xb8;
	[tilespmem:$0x10100] =	vst v63  }
0x42: {  	s1 =	rddreg [dreg:$0x9]  }
0x43: {  	[tilespmem:s1], [sflag:$0x1] =	stream.indirect_vreg.gather [hbm4b:s3+s2], $0x80, v3, vm0, $0xb8;
	[tilespmem:$0x10100] =	vst v63  }
0x44: {  	v3 =	vld [tilespmem:$0x30];
	_ =	sdelay $0x4  }
0x45: {  	v51 =	vshll.u32 v3, $0x1  }
0x46: {  	v3 =	vand.u32 $0x7, v3;
	v4 =	vand.u32 $0xFFFFFFF0, v51  }
0x47: {  	v3 =	vor.u32 v3, v4  }
0x48: {  	v4 =	vperm.xlane v3, v0;
	_ =	sdelay $0x1  }
0x49: {  	v3 =	vperm.xlane v3, v2;
	v4 =	vadd.s32 v1, v4;
	_ =	sdelay $0x1  }
0x4a: {  	v3 =	vadd.s32 v1, v3;
	_ =	sdelay $0x1  }
0x4b: {  	s0 =	rddreg [dreg:$0xa]  }
0x4c: {  	[tilespmem:s0], [sflag:$0x1] =	stream.indirect_vreg.gather [hbm4b:s3+s2], $0x80, v4, vm0, $0xb8;
	[tilespmem:$0x10100] =	vst v63  }
0x4d: {  	s1 =	rddreg [dreg:$0xb]  }
0x4e: {  	[tilespmem:s1], [sflag:$0x1] =	stream.indirect_vreg.gather [hbm4b:s3+s2], $0x80, v3, vm0, $0xb8;
	[tilespmem:$0x10100] =	vst v63  }
0x4f: {  	v3 =	vld [tilespmem:$0x40];
	_ =	sdelay $0x4  }
0x50: {  	v52 =	vshll.u32 v3, $0x1  }
0x51: {  	v3 =	vand.u32 $0x7, v3;
	v4 =	vand.u32 $0xFFFFFFF0, v52  }
0x52: {  	v3 =	vor.u32 v3, v4  }
0x53: {  	v4 =	vperm.xlane v3, v0;
	_ =	sdelay $0x1  }
0x54: {  	v3 =	vperm.xlane v3, v2;
	v4 =	vadd.s32 v1, v4;
	_ =	sdelay $0x1  }
0x55: {  	v3 =	vadd.s32 v1, v3;
	_ =	sdelay $0x1  }
0x56: {  	s0 =	rddreg [dreg:$0xc]  }
0x57: {  	[tilespmem:s0], [sflag:$0x1] =	stream.indirect_vreg.gather [hbm4b:s3+s2], $0x80, v4, vm0, $0xb8;
	[tilespmem:$0x10100] =	vst v63  }
0x58: {  	s1 =	rddreg [dreg:$0xd]  }
0x59: {  	[tilespmem:s1], [sflag:$0x1] =	stream.indirect_vreg.gather [hbm4b:s3+s2], $0x80, v3, vm0, $0xb8;
	[tilespmem:$0x10100] =	vst v63  }
0x5a: {  	v3 =	vld [tilespmem:$0x50];
	_ =	sdelay $0x4  }
0x5b: {  	v53 =	vshll.u32 v3, $0x1  }
0x5c: {  	v3 =	vand.u32 $0x7, v3;
	v4 =	vand.u32 $0xFFFFFFF0, v53  }
0x5d: {  	v3 =	vor.u32 v3, v4  }
0x5e: {  	v4 =	vperm.xlane v3, v0;
	_ =	sdelay $0x1  }
0x5f: {  	v3 =	vperm.xlane v3, v2;
	v4 =	vadd.s32 v1, v4;
	_ =	sdelay $0x1  }
0x60: {  	v3 =	vadd.s32 v1, v3;
	_ =	sdelay $0x1  }
0x61: {  	s0 =	rddreg [dreg:$0xe]  }
0x62: {  	[tilespmem:s0], [sflag:$0x1] =	stream.indirect_vreg.gather [hbm4b:s3+s2], $0x80, v4, vm0, $0xb8;
	[tilespmem:$0x10100] =	vst v63  }
0x63: {  	s1 =	rddreg [dreg:$0xf]  }
0x64: {  	[tilespmem:s1], [sflag:$0x1] =	stream.indirect_vreg.gather [hbm4b:s3+s2], $0x80, v3, vm0, $0xb8;
	[tilespmem:$0x10100] =	vst v63  }
0x65: {  	v3 =	vld [tilespmem:$0x60];
	_ =	sdelay $0x4  }
0x66: {  	v54 =	vshll.u32 v3, $0x1  }
0x67: {  	v3 =	vand.u32 $0x7, v3;
	v4 =	vand.u32 $0xFFFFFFF0, v54  }
0x68: {  	v3 =	vor.u32 v3, v4  }
0x69: {  	v4 =	vperm.xlane v3, v0;
	_ =	sdelay $0x1  }
0x6a: {  	v3 =	vperm.xlane v3, v2;
	v4 =	vadd.s32 v1, v4;
	_ =	sdelay $0x1  }
0x6b: {  	v3 =	vadd.s32 v1, v3;
	_ =	sdelay $0x1  }
0x6c: {  	s0 =	rddreg [dreg:$0x10]  }
0x6d: {  	[tilespmem:s0], [sflag:$0x1] =	stream.indirect_vreg.gather [hbm4b:s3+s2], $0x80, v4, vm0, $0xb8;
	[tilespmem:$0x10100] =	vst v63  }
0x6e: {  	s1 =	rddreg [dreg:$0x11]  }
0x6f: {  	[tilespmem:s1], [sflag:$0x1] =	stream.indirect_vreg.gather [hbm4b:s3+s2], $0x80, v3, vm0, $0xb8;
	[tilespmem:$0x10100] =	vst v63  }
0x70: {  	v3 =	vld [tilespmem:$0x70];
	_ =	sdelay $0x4  }
0x71: {  	v55 =	vshll.u32 v3, $0x1  }
0x72: {  	v3 =	vand.u32 $0x7, v3;
	v4 =	vand.u32 $0xFFFFFFF0, v55  }
0x73: {  	v3 =	vor.u32 v3, v4  }
0x74: {  	v4 =	vperm.xlane v3, v0;
	_ =	sdelay $0x1  }
0x75: {  	v3 =	vperm.xlane v3, v2;
	v4 =	vadd.s32 v1, v4;
	_ =	sdelay $0x1  }
0x76: {  	v3 =	vadd.s32 v1, v3;
	_ =	sdelay $0x1  }
0x77: {  	s1 =	rddreg [dreg:$0x12]  }
0x78: {  	[tilespmem:s1], [sflag:$0x1] =	stream.indirect_vreg.gather [hbm4b:s3+s2], $0x80, v4, vm0, $0xb8;
	[tilespmem:$0x10100] =	vst v63  }
0x79: {  	s1 =	rddreg [dreg:$0x4]  }
0x7a: {  	[tilespmem:s8], [sflag:$0x1] =	stream.indirect_vreg.gather [hbm4b:s3+s2], $0x80, v3, vm0, $0xb8;
	[tilespmem:$0x10100] =	vst v63  }
0x7b: {  	s0 =	sadd.s32 s31, s1  }
0x7c: {  	[tilespmem:s9], [sflag:$0x3] =	stream.linear.gather [hbm4b:s0+s2], $0x80, $0x38;
	[tilespmem:$0x10100] =	vst v63  }
0x7d: {  	_ =	swait.ge [sflag:s6], $0x80  }
0x7e: {  	[sflag:s6] =	ssyncset.done $0x0  }
0x7f: {  	[sflag:s6] =	ssyncadd.s32 $0xFFFFFF80  }
0x80: {  	v3 =	vld [tilespmem:$0x80];
	_ =	sdelay $0x4  }
0x81: {  	v56 =	vshll.u32 v3, $0x1  }
0x82: {  	v3 =	vand.u32 $0x7, v3;
	v4 =	vand.u32 $0xFFFFFFF0, v56  }
0x83: {  	v3 =	vor.u32 v3, v4  }
0x84: {  	v4 =	vperm.xlane v3, v0;
	_ =	sdelay $0x1  }
0x85: {  	v3 =	vperm.xlane v3, v2;
	v4 =	vadd.s32 v1, v4;
	_ =	sdelay $0x1  }
0x86: {  	v3 =	vadd.s32 v1, v3;
	_ =	sdelay $0x2  }
0x87: {  	[tilespmem:s10], [sflag:$0x2] =	stream.indirect_vreg.gather [hbm4b:s3+s2], $0x80, v4, vm0, $0xb8;
	[tilespmem:$0x10100] =	vst v63  }
0x88: {  	_ = 	snop  }
0x89: {  	[tilespmem:s11], [sflag:$0x2] =	stream.indirect_vreg.gather [hbm4b:s3+s2], $0x80, v3, vm0, $0xb8;
	[tilespmem:$0x10100] =	vst v63  }
0x8a: {  	v3 =	vld [tilespmem:$0x90];
	_ =	sdelay $0x4  }
0x8b: {  	v57 =	vshll.u32 v3, $0x1  }
0x8c: {  	v3 =	vand.u32 $0x7, v3;
	v4 =	vand.u32 $0xFFFFFFF0, v57  }
0x8d: {  	v3 =	vor.u32 v3, v4  }
0x8e: {  	v4 =	vperm.xlane v3, v0;
	_ =	sdelay $0x1  }
0x8f: {  	v3 =	vperm.xlane v3, v2;
	v4 =	vadd.s32 v1, v4;
	_ =	sdelay $0x1  }
0x90: {  	v3 =	vadd.s32 v1, v3;
	_ =	sdelay $0x2  }
0x91: {  	[tilespmem:s12], [sflag:$0x2] =	stream.indirect_vreg.gather [hbm4b:s3+s2], $0x80, v4, vm0, $0xb8;
	[tilespmem:$0x10100] =	vst v63  }
0x92: {  	_ = 	snop  }
0x93: {  	[tilespmem:s13], [sflag:$0x2] =	stream.indirect_vreg.gather [hbm4b:s3+s2], $0x80, v3, vm0, $0xb8;
	[tilespmem:$0x10100] =	vst v63  }
0x94: {  	v3 =	vld [tilespmem:$0xA0];
	_ =	sdelay $0x4  }
0x95: {  	v58 =	vshll.u32 v3, $0x1  }
0x96: {  	v3 =	vand.u32 $0x7, v3;
	v4 =	vand.u32 $0xFFFFFFF0, v58  }
0x97: {  	v3 =	vor.u32 v3, v4  }
0x98: {  	v4 =	vperm.xlane v3, v0;
	_ =	sdelay $0x1  }
0x99: {  	v3 =	vperm.xlane v3, v2;
	v4 =	vadd.s32 v1, v4;
	_ =	sdelay $0x1  }
0x9a: {  	v3 =	vadd.s32 v1, v3;
	_ =	sdelay $0x2  }
0x9b: {  	[tilespmem:s14], [sflag:$0x2] =	stream.indirect_vreg.gather [hbm4b:s3+s2], $0x80, v4, vm0, $0xb8;
	[tilespmem:$0x10100] =	vst v63  }
0x9c: {  	_ = 	snop  }
0x9d: {  	[tilespmem:s15], [sflag:$0x2] =	stream.indirect_vreg.gather [hbm4b:s3+s2], $0x80, v3, vm0, $0xb8;
	[tilespmem:$0x10100] =	vst v63  }
0x9e: {  	v3 =	vld [tilespmem:$0xB0];
	_ =	sdelay $0x4  }
0x9f: {  	v59 =	vshll.u32 v3, $0x1  }
0xa0: {  	v3 =	vand.u32 $0x7, v3;
	v4 =	vand.u32 $0xFFFFFFF0, v59  }
0xa1: {  	v3 =	vor.u32 v3, v4  }
0xa2: {  	v4 =	vperm.xlane v3, v0;
	_ =	sdelay $0x1  }
0xa3: {  	v3 =	vperm.xlane v3, v2;
	v4 =	vadd.s32 v1, v4;
	_ =	sdelay $0x1  }
0xa4: {  	v3 =	vadd.s32 v1, v3;
	_ =	sdelay $0x2  }
0xa5: {  	[tilespmem:s16], [sflag:$0x2] =	stream.indirect_vreg.gather [hbm4b:s3+s2], $0x80, v4, vm0, $0xb8;
	[tilespmem:$0x10100] =	vst v63  }
0xa6: {  	_ = 	snop  }
0xa7: {  	[tilespmem:s17], [sflag:$0x2] =	stream.indirect_vreg.gather [hbm4b:s3+s2], $0x80, v3, vm0, $0xb8;
	[tilespmem:$0x10100] =	vst v63  }
0xa8: {  	v3 =	vld [tilespmem:$0xC0];
	_ =	sdelay $0x4  }
0xa9: {  	v60 =	vshll.u32 v3, $0x1  }
0xaa: {  	v3 =	vand.u32 $0x7, v3;
	v4 =	vand.u32 $0xFFFFFFF0, v60  }
0xab: {  	v3 =	vor.u32 v3, v4  }
0xac: {  	v4 =	vperm.xlane v3, v0;
	_ =	sdelay $0x1  }
0xad: {  	v3 =	vperm.xlane v3, v2;
	v4 =	vadd.s32 v1, v4;
	_ =	sdelay $0x1  }
0xae: {  	v3 =	vadd.s32 v1, v3;
	_ =	sdelay $0x2  }
0xaf: {  	[tilespmem:s18], [sflag:$0x2] =	stream.indirect_vreg.gather [hbm4b:s3+s2], $0x80, v4, vm0, $0xb8;
	[tilespmem:$0x10100] =	vst v63  }
0xb0: {  	_ = 	snop  }
0xb1: {  	[tilespmem:s19], [sflag:$0x2] =	stream.indirect_vreg.gather [hbm4b:s3+s2], $0x80, v3, vm0, $0xb8;
	[tilespmem:$0x10100] =	vst v63  }
0xb2: {  	v3 =	vld [tilespmem:$0xD0];
	_ =	sdelay $0x4  }
0xb3: {  	v61 =	vshll.u32 v3, $0x1  }
0xb4: {  	v3 =	vand.u32 $0x7, v3;
	v4 =	vand.u32 $0xFFFFFFF0, v61  }
0xb5: {  	v3 =	vor.u32 v3, v4  }
0xb6: {  	v4 =	vperm.xlane v3, v0;
	_ =	sdelay $0x1  }
0xb7: {  	v3 =	vperm.xlane v3, v2;
	v4 =	vadd.s32 v1, v4;
	_ =	sdelay $0x1  }
0xb8: {  	v3 =	vadd.s32 v1, v3;
	_ =	sdelay $0x2  }
0xb9: {  	[tilespmem:s20], [sflag:$0x2] =	stream.indirect_vreg.gather [hbm4b:s3+s2], $0x80, v4, vm0, $0xb8;
	[tilespmem:$0x10100] =	vst v63  }
0xba: {  	_ = 	snop  }
0xbb: {  	[tilespmem:s21], [sflag:$0x2] =	stream.indirect_vreg.gather [hbm4b:s3+s2], $0x80, v3, vm0, $0xb8;
	[tilespmem:$0x10100] =	vst v63  }
0xbc: {  	v3 =	vld [tilespmem:$0xE0];
	_ =	sdelay $0x4  }
0xbd: {  	v62 =	vshll.u32 v3, $0x1  }
0xbe: {  	v3 =	vand.u32 $0x7, v3;
	v4 =	vand.u32 $0xFFFFFFF0, v62  }
0xbf: {  	v3 =	vor.u32 v3, v4  }
0xc0: {  	v4 =	vperm.xlane v3, v0;
	_ =	sdelay $0x1  }
0xc1: {  	v3 =	vperm.xlane v3, v2;
	v4 =	vadd.s32 v1, v4;
	_ =	sdelay $0x1  }
0xc2: {  	v3 =	vadd.s32 v1, v3;
	_ =	sdelay $0x2  }
0xc3: {  	[tilespmem:s22], [sflag:$0x2] =	stream.indirect_vreg.gather [hbm4b:s3+s2], $0x80, v4, vm0, $0xb8;
	[tilespmem:$0x10100] =	vst v63  }
0xc4: {  	_ = 	snop  }
0xc5: {  	[tilespmem:s23], [sflag:$0x2] =	stream.indirect_vreg.gather [hbm4b:s3+s2], $0x80, v3, vm0, $0xb8;
	[tilespmem:$0x10100] =	vst v63  }
0xc6: {  	v3 =	vld [tilespmem:$0xF0];
	_ =	sdelay $0x4  }
0xc7: {  	v63 =	vshll.u32 v3, $0x1  }
0xc8: {  	v3 =	vand.u32 $0x7, v3;
	v4 =	vand.u32 $0xFFFFFFF0, v63  }
0xc9: {  	v3 =	vor.u32 v3, v4  }
0xca: {  	v4 =	vperm.xlane v3, v0;
	_ =	sdelay $0x1  }
0xcb: {  	v3 =	vperm.xlane v3, v2;
	v4 =	vadd.s32 v1, v4;
	_ =	sdelay $0x1  }
0xcc: {  	v3 =	vadd.s32 v1, v3;
	_ =	sdelay $0x2  }
0xcd: {  	[tilespmem:s24], [sflag:$0x2] =	stream.indirect_vreg.gather [hbm4b:s3+s2], $0x80, v4, vm0, $0xb8;
	[tilespmem:$0x10100] =	vst v63  }
0xce: {  	_ = 	snop  }
0xcf: {  	[tilespmem:s25], [sflag:$0x2] =	stream.indirect_vreg.gather [hbm4b:s3+s2], $0x80, v3, vm0, $0xb8;
	[tilespmem:$0x10100] =	vst v63  }
0xd0: {  	_ =	swait.ge [sflag:s26], $0x8000  }
0xd1: {  	[sflag:s26] =	ssyncset.done $0x0  }
0xd2: {  	[sflag:s26] =	ssyncadd.s32 $0xFFFF8000  }
0xd3: {  	[hbm4b:s30+s2] =	stream.linear.scatter [tilespmem:s7], [sflag:$0x3], $0x8000, $0x38;
	[tilespmem:$0x10100] =	vst v63  }
0xd4: {  	_ =	swait.ge [sflag:s6], $0x8000  }
0xd5: {  	[sflag:s6] =	ssyncset.done $0x0  }
0xd6: {  	[sflag:s6] =	ssyncadd.s32 $0xFFFF8000  }
0xd7: {  	_ =	swait.ge [sflag:s28], $0x8000  }
0xd8: {  	p0 =	sne.s32 s31, $0x300;
	[sflag:s28] =	ssyncset.done $0x0  }
.Ltmp0:
0xd9: {  	s1 =	sadd.s32 $0x1000, s30;
	[sflag:s28] =	ssyncadd.s32 $0xFFFF8000;
	(pc) =	sbr.rel @p0 .LBB2_2-.Ltmp0, $4  }
0xda: {  	[hbm4b:s1+s2] =	stream.linear.scatter [tilespmem:s10], [sflag:$0x3], $0x8000, $0x38;
	[tilespmem:$0x10100] =	vst v63  }
0xdb: {  	_ =	swait.ge [sflag:s6], $0x8000  }
0xdc: {  	[sflag:s6] =	ssyncset.done $0x0  }
0xdd: {  	s31 =	sadd.s32 $0x20, s31;
	s30 =	sadd.s32 $0x2000, s30;
	[sflag:s6] =	ssyncadd.s32 $0xFFFF8000  }
0xde: {  	s29 =	sadd.s32 $0x1, s29  }
0xdf: {  	p0 =	sne.s32 s29, s4  }
.Ltmp1:
0xe0: {  	_ = 	snop;
	(pc) =	sbr.rel @p0 .LBB2_1-.Ltmp1, $1  }
0xe1: {  	_ =	sdelay $0x3  }
0xe2: {  	_ =	sfence.sel $0x180000  }
0xe3: {  	[bflag:$0x0] =	sbarrier.arrive $0xFFFF  }
0xe4: {  	_ =	strace $0x90000047  }
0xe5: {  	s0 =	stileid.u32;
	[bflag:$0x2] =	sbarrier.arrive $0xFFFF  }
0xe6: {  	p0 =	sne.s32 s0, $0x0;
	s0 =	rddreg [dreg:$0x2]  }
0xe7: {  	s0 =	sadd.s32 @!p0 $0x100000, s0  }
0xe8: {  	[sflag:s0] =	ssyncadd.tile.s32 @!p0 $0x1;
	_ =	shalt  }
.Lfunc_end2:
_tile_overlayer_lowered:
.L_overlay_start_2:
0xe9: {  	(tag) =	ssettag $0x2  }
0xea: {  	s0 =	rddreg [dreg:$0x0];
	s2 =	stileid.u32  }
0xeb: {  	s1 =	rddreg [dreg:$0x1];
	p0 =	sne.s32 s2, $0x0  }
0xec: {  	s3 =	rddreg [dreg:$0x2];
	[bflag:$0x3] =	sbarrier.arrive $0xFFFF;
	s2 =	simm.s32 @!p0 $0x1C03  }
0xed: {  	[timem:s3], [sflag:s2] =	dma.local @!p0 [hbm:s0], s1  }
0xee: {  	s0 =	simm.s32 @!p0 $0x3  }
0xef: {  	_ =	swait.ge @!p0 [sflag:s0], s1  }
0xf0: {  	s1 =	ssub.s32 @!p0 $0x0, s1;
	[sflag:s0] =	ssyncset.done @!p0 $0x0  }
0xf1: {  	[sflag:s0] =	ssyncadd.s32 @!p0 s1  }
0xf2: {  	[bflag:$0x3] =	sbarrier.arrive $0xFFFF  }
0xf3: {  	_ =	shalt  }

</sc_bundles>
